<compile_context>
chip_gen: v7x
topology: tpu7x:2x2x1
jax: 0.10.2.dev20260603
libtpu: 0.0.44.dev20260713+nightly
codegen_flags: <defaults>
</compile_context>

<pallas_src>
import functools

import jax
import jax.numpy as jnp
from jax import lax
from jax.experimental import pallas as pl
from jax.experimental.pallas import tpu as pltpu
from jax.experimental.pallas import tpu_sc as plsc

N_NODES = 10000
N_EDGES = 320000
D = 128

NC = 2
NS = 16
L = 16
NW = NC * NS

CH = 128
NCHUNK = 2560
E_PAD = NCHUNK * CH
CPW = NCHUNK // NW
BLK = 40
MBLK = CPW // BLK
DNBLK = CPW // BLK

ROWB = 80
NROWCH = N_NODES // ROWB

MM_BLK = 400
MM_GRID = N_NODES // MM_BLK

_MESH = plsc.VectorSubcoreMesh(core_axis_name="c", subcore_axis_name="s")
_SC_PARAMS = pltpu.CompilerParams(needs_layout_passes=False)


def _mm_body(x_ref, w_ref, h_ref):
    h_ref[...] = jnp.dot(x_ref[...], w_ref[...],
                         preferred_element_type=jnp.float32)


def _matmul(x, W):
    return pl.pallas_call(
        _mm_body,
        grid=(MM_GRID,),
        in_specs=[
            pl.BlockSpec((MM_BLK, D), lambda i: (i, 0)),
            pl.BlockSpec((D, D), lambda i: (0, 0)),
        ],
        out_specs=pl.BlockSpec((MM_BLK, D), lambda i: (i, 0)),
        out_shape=jax.ShapeDtypeStruct((N_NODES, D), jnp.float32),
    )(x, W)


def _gk_body(h_ref, d0_ref, d1_ref, g_ref, dis_ref):
    d = d0_ref[:, 0] + d1_ref[:, 0]
    dis = jnp.where(d > 0.0, lax.rsqrt(jnp.where(d > 0.0, d, 1.0)), 0.0)
    dis_ref[...] = dis[:, None]
    g_ref[...] = h_ref[...] * dis[:, None]


def _g_and_dis(h, deg0, deg1):
    return pl.pallas_call(
        _gk_body,
        grid=(MM_GRID,),
        in_specs=[
            pl.BlockSpec((MM_BLK, D), lambda i: (i, 0)),
            pl.BlockSpec((MM_BLK, 1), lambda i: (i, 0)),
            pl.BlockSpec((MM_BLK, 1), lambda i: (i, 0)),
        ],
        out_specs=[
            pl.BlockSpec((MM_BLK, D), lambda i: (i, 0)),
            pl.BlockSpec((MM_BLK, 1), lambda i: (i, 0)),
        ],
        out_shape=[
            jax.ShapeDtypeStruct((N_NODES, D), jnp.float32),
            jax.ShapeDtypeStruct((N_NODES, 1), jnp.float32),
        ],
    )(h, deg0, deg1)


def _fin_body(p_ref, dis_ref, b_ref, o_ref):
    o_ref[...] = (p_ref[0] + p_ref[1]) * dis_ref[...] + b_ref[...]


def _final_add(parts, dis, b):
    return pl.pallas_call(
        _fin_body,
        grid=(MM_GRID,),
        in_specs=[
            pl.BlockSpec((NC, MM_BLK, D), lambda i: (0, i, 0)),
            pl.BlockSpec((MM_BLK, 1), lambda i: (i, 0)),
            pl.BlockSpec((D,), lambda i: (0,)),
        ],
        out_specs=pl.BlockSpec((MM_BLK, D), lambda i: (i, 0)),
        out_shape=jax.ShapeDtypeStruct((N_NODES, D), jnp.float32),
    )(parts, dis, b)


@functools.partial(
    pl.kernel,
    out_type=[
        jax.ShapeDtypeStruct((N_NODES,), jnp.float32),
        jax.ShapeDtypeStruct((N_NODES,), jnp.float32),
    ],
    mesh=_MESH,
    compiler_params=_SC_PARAMS,
    scratch_types=[
        pltpu.VMEM((BLK, CH), jnp.int32),
        pltpu.VMEM((BLK, CH), jnp.float32),
        pltpu.VMEM((N_NODES,), jnp.float32),
        pltpu.VMEM_SHARED((N_NODES,), jnp.float32),
    ],
)
def _sc_deg(col_hbm, ew_hbm, deg0_hbm, deg1_hbm, colb, ewb, zbuf, deg):
    cid = lax.axis_index("c")
    sid = lax.axis_index("s")

    zv = jnp.zeros((L,), jnp.float32)

    def _zb(i, _):
        zbuf[pl.ds(i * L, L)] = zv
        return 0
    lax.fori_loop(0, N_NODES // L, _zb, 0)

    @pl.when(sid == 0)
    def _():
        pltpu.sync_copy(zbuf, deg)

    plsc.subcore_barrier()

    def _dblk(t, _):
        dbase = cid * (NCHUNK // NC) + sid * CPW + t * BLK
        pltpu.sync_copy(col_hbm.at[pl.ds(dbase, BLK)], colb)
        pltpu.sync_copy(ew_hbm.at[pl.ds(dbase, BLK)], ewb)

        def _dadd(j, _):
            pltpu.sync_copy(ewb.at[j], deg.at[colb.at[j]], add=True)
            return 0
        lax.fori_loop(0, BLK, _dadd, 0)
        return 0
    lax.fori_loop(0, DNBLK, _dblk, 0)

    plsc.subcore_barrier()

    @pl.when(jnp.logical_and(cid == 0, sid == 0))
    def _():
        pltpu.sync_copy(deg, deg0_hbm)

    @pl.when(jnp.logical_and(cid == 1, sid == 0))
    def _():
        pltpu.sync_copy(deg, deg1_hbm)


@functools.partial(
    pl.kernel,
    out_type=jax.ShapeDtypeStruct((NC, N_NODES, D), jnp.float32),
    mesh=_MESH,
    compiler_params=_SC_PARAMS,
    scratch_types=[
        pltpu.VMEM((BLK, CH), jnp.int32),
        pltpu.VMEM((BLK, CH), jnp.int32),
        pltpu.VMEM((BLK, CH), jnp.float32),
        pltpu.VMEM((CH, D), jnp.float32),
        pltpu.VMEM((CH, D), jnp.float32),
        pltpu.VMEM_SHARED((N_NODES, D), jnp.float32),
        pltpu.SemaphoreType.DMA,
        pltpu.SemaphoreType.DMA,
    ],
)
def _sc_msg(g_hbm, row_hbm, col_hbm, ew_hbm, out_hbm,
            rowb, colb, ewb, msgA, msgB, acc, gsA, gsB):
    cid = lax.axis_index("c")
    sid = lax.axis_index("s")
    wid = cid * NS + sid

    zv = jnp.zeros((L,), jnp.float32)

    def _zmsg(i, _):
        for k in range(D // L):
            msgA[i, pl.ds(k * L, L)] = zv
        return 0
    lax.fori_loop(0, CH, _zmsg, 0)

    def _zacc(t, _):
        c = sid + t * NS
        @pl.when(c < NROWCH)
        def _():
            r = c * ROWB
            pltpu.sync_copy(msgA.at[pl.ds(0, ROWB)], acc.at[pl.ds(r, ROWB)])
        return 0
    lax.fori_loop(0, (NROWCH + NS - 1) // NS, _zacc, 0)

    plsc.subcore_barrier()

    def _scale(mref, j):
        jv = jnp.full((L,), j, jnp.int32)

        def _rloop(q, _):
            e0 = q * 4
            ns = []
            for u in range(4):
                ev = jnp.full((L,), e0 + u, jnp.int32)
                ns.append(plsc.load_gather(ewb, [jv, ev]))
            for k in range(D // L):
                sl = pl.ds(k * L, L)
                for u in range(4):
                    mref[e0 + u, sl] = mref[e0 + u, sl] * ns[u]
            return 0
        lax.fori_loop(0, CH // 4, _rloop, 0)

    def _mblk(t, _):
        wbase = wid * CPW + t * BLK
        pltpu.sync_copy(row_hbm.at[pl.ds(wbase, BLK)], rowb)
        pltpu.sync_copy(col_hbm.at[pl.ds(wbase, BLK)], colb)
        pltpu.sync_copy(ew_hbm.at[pl.ds(wbase, BLK)], ewb)

        pltpu.async_copy(g_hbm.at[rowb.at[0]], msgA, gsA)

        def _mpair(p, _):
            jA = 2 * p
            jB = 2 * p + 1

            pltpu.make_async_copy(g_hbm.at[rowb.at[jA]], msgA, gsA).wait()
            pltpu.async_copy(g_hbm.at[rowb.at[jB]], msgB, gsB)
            _scale(msgA, jA)
            pltpu.sync_copy(msgA, acc.at[colb.at[jA]], add=True)

            @pl.when(p < BLK // 2 - 1)
            def _():
                pltpu.async_copy(g_hbm.at[rowb.at[jA + 2]], msgA, gsA)

            pltpu.make_async_copy(g_hbm.at[rowb.at[jB]], msgB, gsB).wait()
            _scale(msgB, jB)
            pltpu.sync_copy(msgB, acc.at[colb.at[jB]], add=True)
            return 0
        lax.fori_loop(0, BLK // 2, _mpair, 0)
        return 0
    lax.fori_loop(0, MBLK, _mblk, 0)

    plsc.subcore_barrier()

    def _oloop(t, _):
        c = sid + t * NS
        @pl.when(c < NROWCH)
        def _():
            r = c * ROWB
            pltpu.sync_copy(acc.at[pl.ds(r, ROWB)], out_hbm.at[cid, pl.ds(r, ROWB), :])
        return 0
    lax.fori_loop(0, (NROWCH + NS - 1) // NS, _oloop, 0)


def kernel(x, edge_index, edge_weight, W, b):
    pad = E_PAD - N_EDGES
    zi = jnp.arange(pad, dtype=jnp.int32) % N_NODES
    row = jnp.concatenate([edge_index[0].astype(jnp.int32), zi]).reshape(NCHUNK, CH)
    col = jnp.concatenate([edge_index[1].astype(jnp.int32), zi]).reshape(NCHUNK, CH)
    ew = jnp.concatenate([edge_weight, jnp.zeros((pad,), jnp.float32)]).reshape(NCHUNK, CH)
    h = _matmul(x, W)
    deg0, deg1 = _sc_deg(col, ew)
    g, dis = _g_and_dis(h, deg0.reshape(N_NODES, 1), deg1.reshape(N_NODES, 1))
    parts = _sc_msg(g, row, col, ew)
    return _final_add(parts, dis, b)

# --- scband reference (transcript-rebuilt; emitter-appended) ---
"""Pipeline reference for scband-graphconv-wrapper-86509231276084 (READ-ONLY COPY).

The authoritative reference and input builder live on the scoring server;
editing this copy changes nothing except your own understanding.
"""

import jax, jax.numpy as jnp
import numpy as np

N_NODES = 10000
N_EDGES = 320000
DIM_IN = 128
DIM_OUT = 128


def setup_inputs(seed: int = 0) -> dict:
    key = jax.random.key(seed)
    k_x, k_ei, k_ew, k_w, k_b = jax.random.split(key, 5)
    x = jax.random.normal(k_x, (N_NODES, DIM_IN), dtype=jnp.float32)
    edge_index = jax.random.randint(k_ei, (2, N_EDGES), 0, N_NODES, dtype=jnp.int64)
    edge_weight = jax.random.uniform(k_ew, (N_EDGES,), dtype=jnp.float32)
    # GCNConv learned parameters: lin weight [in, out] (no bias on lin) + output bias
    W = jax.random.normal(k_w, (DIM_IN, DIM_OUT), dtype=jnp.float32) * (1.0 / np.sqrt(DIM_IN))
    b = jnp.zeros((DIM_OUT,), dtype=jnp.float32)
    return {"x": x, "edge_index": edge_index, "edge_weight": edge_weight, "W": W, "b": b}


def reference(x, edge_index, edge_weight, W, b):
    # GCNConv with add_self_loops=False, normalize=True (PyG gcn_norm semantics)
    row = edge_index[0]
    col = edge_index[1]
    # degree of destination nodes weighted by edge_weight
    deg = jnp.zeros((N_NODES,), dtype=x.dtype).at[col].add(edge_weight)
    deg_inv_sqrt = jnp.where(deg > 0, jax.lax.rsqrt(jnp.where(deg > 0, deg, 1.0)), 0.0)
    norm = deg_inv_sqrt[row] * edge_weight * deg_inv_sqrt[col]
    # linear transform
    h = x @ W
    # message passing: gather source features, scale, scatter-add into destinations
    msg = jnp.take(h, row, axis=0) * norm[:, None]
    out = jnp.zeros((N_NODES, DIM_OUT), dtype=x.dtype).at[col].add(msg)
    out = out + b
    return out

if __name__ == "__main__":
    import jax
    _d = setup_inputs()
    print(jax.jit(kernel)(*tuple(_d.values())))

</pallas_src>

<mosaic_0001>
#map = affine_map<(d0, d1) -> (0, 0)>
#map1 = affine_map<(d0, d1) -> (0)>
module attributes {stable_mosaic.version = 14 : i64} {
  func.func @_sc_deg(%arg0: i32, %arg1: i32, %arg2: memref<2560x128xi32, #tpu.memory_space<hbm>>, %arg3: memref<2560x128xf32, #tpu.memory_space<hbm>>, %arg4: memref<10000xf32, #tpu.memory_space<hbm>>, %arg5: memref<10000xf32, #tpu.memory_space<hbm>>, %arg6: memref<40x128xi32, #tpu.memory_space<vmem>>, %arg7: memref<40x128xf32, #tpu.memory_space<vmem>>, %arg8: memref<10000xf32, #tpu.memory_space<vmem>>, %arg9: memref<10000xf32, #tpu.memory_space<vmem_shared>>) attributes {dimension_semantics = [#tpu.dimension_semantics<core_parallel>, #tpu.dimension_semantics<subcore_parallel>], iteration_bounds = array<i64: 2, 16>, scalar_prefetch = 0 : i64, scratch_operands = 4 : i64, tpu.core_type = #tpu.core_type<sc_vector_subcore>, window_params = [{transform_indices = #map}, {transform_indices = #map}, {transform_indices = #map1}, {transform_indices = #map1}]} {
    %broadcast_in_dim3A = arith.constant 0.000000e+00 : f32
    %broadcast_in_dim3A_0 = vector.broadcast %broadcast_in_dim3A : f32 to vector<16xf32>
    %scan3A = arith.constant 0 : i32
    %scan3A_1 = arith.constant 0 : i32
    %scan3A_2 = arith.constant 625 : i32
    %scan3A_3 = arith.addi %scan3A_1, %scan3A_2 : i32
    %scan3A_4 = arith.constant 1 : i32
    %scan3A_5 = scf.for %scan3A_32 = %scan3A_1 to %scan3A_3 step %scan3A_4 iter_args(%scan3A_33 = %scan3A) -> (i32)  : i32 {
      %mul3A = arith.constant 16 : i32
      %mul3A_34 = arith.muli %scan3A_32, %mul3A : i32
      %swap3A = arith.index_cast %mul3A_34 : i32 to index
      %swap3A_35 = tpu.vector_load %arg8[%swap3A] {strides = array<i32>} : memref<10000xf32, #tpu.memory_space<vmem>>, vector<16xf32>,
      tpu.vector_store %arg8[%swap3A], %broadcast_in_dim3A_0 {strides = array<i32>} : memref<10000xf32, #tpu.memory_space<vmem>>, vector<16xf32>,
      %scan3A_36 = arith.constant 0 : i32
      scf.yield %scan3A_36 : i32
    }
    %scan3A_6 = arith.constant 625 : i32
    %eq3A = arith.constant 0 : i32
    %eq3A_7 = arith.cmpi eq, %arg1, %eq3A : i32
    %convert_element_type3A = arith.extui %eq3A_7 : i1 to i32
    %cond3A = arith.constant 0 : i32
    %cond3A_8 = arith.cmpi ne, %convert_element_type3A, %cond3A : i32
    scf.if %cond3A_8 {
      "tpu.region"() ({
        %run_scoped3A = tpu.sem_alloc : memref<!tpu.dma_semaphore, #tpu.memory_space<semaphore_mem>>
        tpu.enqueue_dma source(%arg8 : memref<10000xf32, #tpu.memory_space<vmem>>) target(%arg9 : memref<10000xf32, #tpu.memory_space<vmem_shared>>) target_semaphore(%run_scoped3A : memref<!tpu.dma_semaphore, #tpu.memory_space<semaphore_mem>>)
        tpu.wait_dma2 semaphore(%run_scoped3A : memref<!tpu.dma_semaphore, #tpu.memory_space<semaphore_mem>>) src(%arg8 : memref<10000xf32, #tpu.memory_space<vmem>>) dst(%arg9 : memref<10000xf32, #tpu.memory_space<vmem_shared>>)
        tpu.yield
      }) : () -> ()
    } else {
    }
    %barrier3A = arith.constant 0 : index
    tpu.barrier barrier_id(%barrier3A)
    %scan3A_9 = arith.constant 0 : i32
    %scan3A_10 = arith.constant 0 : i32
    %scan3A_11 = arith.constant 2 : i32
    %scan3A_12 = arith.addi %scan3A_10, %scan3A_11 : i32
    %scan3A_13 = arith.constant 1 : i32
    %scan3A_14 = scf.for %scan3A_32 = %scan3A_10 to %scan3A_12 step %scan3A_13 iter_args(%scan3A_33 = %scan3A_9) -> (i32)  : i32 {
      %mul3A = arith.constant 1280 : i32
      %mul3A_34 = arith.muli %arg0, %mul3A : i32
      %mul3A_35 = arith.constant 80 : i32
      %mul3A_36 = arith.muli %arg1, %mul3A_35 : i32
      %add3A = arith.addi %mul3A_34, %mul3A_36 : i32
      %mul3A_37 = arith.constant 40 : i32
      %mul3A_38 = arith.muli %scan3A_32, %mul3A_37 : i32
      %add3A_39 = arith.addi %add3A, %mul3A_38 : i32
      "tpu.region"() ({
        %run_scoped3A = tpu.sem_alloc : memref<!tpu.dma_semaphore, #tpu.memory_space<semaphore_mem>>
        %dma_start3A = arith.constant 0 : i32
        %dma_start3A_48 = tpu.memref_slice %arg2[%add3A_39, %dma_start3A] : memref<2560x128xi32, #tpu.memory_space<hbm>> -> memref<40x128xi32, #tpu.memory_space<hbm>>
        %dma_start3A_49 = arith.constant 0 : i32
        %dma_start3A_50 = tpu.memref_slice %arg2[%add3A_39, %dma_start3A_49] : memref<2560x128xi32, #tpu.memory_space<hbm>> -> memref<40x128xi32, #tpu.memory_space<hbm>>
        tpu.enqueue_dma source(%dma_start3A_50 : memref<40x128xi32, #tpu.memory_space<hbm>>) target(%arg6 : memref<40x128xi32, #tpu.memory_space<vmem>>) target_semaphore(%run_scoped3A : memref<!tpu.dma_semaphore, #tpu.memory_space<semaphore_mem>>)
        %dma_wait3A = arith.constant 0 : i32
        %dma_wait3A_51 = tpu.memref_slice %arg2[%add3A_39, %dma_wait3A] : memref<2560x128xi32, #tpu.memory_space<hbm>> -> memref<40x128xi32, #tpu.memory_space<hbm>>
        %dma_wait3A_52 = arith.constant 0 : i32
        %dma_wait3A_53 = tpu.memref_slice %arg2[%add3A_39, %dma_wait3A_52] : memref<2560x128xi32, #tpu.memory_space<hbm>> -> memref<40x128xi32, #tpu.memory_space<hbm>>
        tpu.wait_dma2 semaphore(%run_scoped3A : memref<!tpu.dma_semaphore, #tpu.memory_space<semaphore_mem>>) src(%dma_wait3A_53 : memref<40x128xi32, #tpu.memory_space<hbm>>) dst(%arg6 : memref<40x128xi32, #tpu.memory_space<vmem>>)
        tpu.yield
      }) : () -> ()
      "tpu.region"() ({
        %run_scoped3A = tpu.sem_alloc : memref<!tpu.dma_semaphore, #tpu.memory_space<semaphore_mem>>
        %dma_start3A = arith.constant 0 : i32
        %dma_start3A_48 = tpu.memref_slice %arg3[%add3A_39, %dma_start3A] : memref<2560x128xf32, #tpu.memory_space<hbm>> -> memref<40x128xf32, #tpu.memory_space<hbm>>
        %dma_start3A_49 = arith.constant 0 : i32
        %dma_start3A_50 = tpu.memref_slice %arg3[%add3A_39, %dma_start3A_49] : memref<2560x128xf32, #tpu.memory_space<hbm>> -> memref<40x128xf32, #tpu.memory_space<hbm>>
        tpu.enqueue_dma source(%dma_start3A_50 : memref<40x128xf32, #tpu.memory_space<hbm>>) target(%arg7 : memref<40x128xf32, #tpu.memory_space<vmem>>) target_semaphore(%run_scoped3A : memref<!tpu.dma_semaphore, #tpu.memory_space<semaphore_mem>>)
        %dma_wait3A = arith.constant 0 : i32
        %dma_wait3A_51 = tpu.memref_slice %arg3[%add3A_39, %dma_wait3A] : memref<2560x128xf32, #tpu.memory_space<hbm>> -> memref<40x128xf32, #tpu.memory_space<hbm>>
        %dma_wait3A_52 = arith.constant 0 : i32
        %dma_wait3A_53 = tpu.memref_slice %arg3[%add3A_39, %dma_wait3A_52] : memref<2560x128xf32, #tpu.memory_space<hbm>> -> memref<40x128xf32, #tpu.memory_space<hbm>>
        tpu.wait_dma2 semaphore(%run_scoped3A : memref<!tpu.dma_semaphore, #tpu.memory_space<semaphore_mem>>) src(%dma_wait3A_53 : memref<40x128xf32, #tpu.memory_space<hbm>>) dst(%arg7 : memref<40x128xf32, #tpu.memory_space<vmem>>)
        tpu.yield
      }) : () -> ()
      %scan3A_40 = arith.constant 0 : i32
      %scan3A_41 = arith.constant 0 : i32
      %scan3A_42 = arith.constant 40 : i32
      %scan3A_43 = arith.addi %scan3A_41, %scan3A_42 : i32
      %scan3A_44 = arith.constant 1 : i32
      %scan3A_45 = scf.for %scan3A_48 = %scan3A_41 to %scan3A_43 step %scan3A_44 iter_args(%scan3A_49 = %scan3A_40) -> (i32)  : i32 {
        "tpu.region"() ({
          %run_scoped3A = tpu.sem_alloc : memref<!tpu.dma_semaphore, #tpu.memory_space<semaphore_mem>>
          %dma_start3A = arith.constant 0 : i32
          %dma_start3A_51 = tpu.memref_slice %arg7[%scan3A_48, %dma_start3A] : memref<40x128xf32, #tpu.memory_space<vmem>> -> memref<1x128xf32, #tpu.memory_space<vmem>>
          %dma_start3A_52 = tpu.memref_squeeze %dma_start3A_51 : memref<1x128xf32, #tpu.memory_space<vmem>> -> memref<128xf32, #tpu.memory_space<vmem>>
          %dma_start3A_53 = arith.constant 0 : i32
          %dma_start3A_54 = tpu.memref_slice %arg6[%scan3A_48, %dma_start3A_53] : memref<40x128xi32, #tpu.memory_space<vmem>> -> memref<1x128xi32, #tpu.memory_space<vmem>>
          %dma_start3A_55 = tpu.memref_squeeze %dma_start3A_54 : memref<1x128xi32, #tpu.memory_space<vmem>> -> memref<128xi32, #tpu.memory_space<vmem>>
          %dma_start3A_56 = arith.constant 0 : i32
          %dma_start3A_57 = tpu.memref_slice %arg9[%dma_start3A_56] : memref<10000xf32, #tpu.memory_space<vmem_shared>> -> memref<10000xf32, #tpu.memory_space<vmem_shared>>
          tpu.enqueue_indirect_dma source(%dma_start3A_52 : memref<128xf32, #tpu.memory_space<vmem>>) target(%dma_start3A_57 : memref<10000xf32, #tpu.memory_space<vmem_shared>>) offsets(%dma_start3A_55 : memref<128xi32, #tpu.memory_space<vmem>>) semaphore(%run_scoped3A : memref<!tpu.dma_semaphore, #tpu.memory_space<semaphore_mem>>) {add = true}
          %dma_wait3A = arith.constant 0 : i32
          %dma_wait3A_58 = tpu.memref_slice %arg7[%scan3A_48, %dma_wait3A] : memref<40x128xf32, #tpu.memory_space<vmem>> -> memref<1x128xf32, #tpu.memory_space<vmem>>
          %dma_wait3A_59 = tpu.memref_squeeze %dma_wait3A_58 : memref<1x128xf32, #tpu.memory_space<vmem>> -> memref<128xf32, #tpu.memory_space<vmem>>
          %dma_wait3A_60 = arith.constant 0 : i32
          %dma_wait3A_61 = tpu.memref_slice %arg6[%scan3A_48, %dma_wait3A_60] : memref<40x128xi32, #tpu.memory_space<vmem>> -> memref<1x128xi32, #tpu.memory_space<vmem>>
          %dma_wait3A_62 = tpu.memref_squeeze %dma_wait3A_61 : memref<1x128xi32, #tpu.memory_space<vmem>> -> memref<128xi32, #tpu.memory_space<vmem>>
          %dma_wait3A_63 = arith.constant 0 : i32
          %dma_wait3A_64 = tpu.memref_slice %arg9[%dma_wait3A_63] : memref<10000xf32, #tpu.memory_space<vmem_shared>> -> memref<10000xf32, #tpu.memory_space<vmem_shared>>
          tpu.wait_indirect_dma semaphore(%run_scoped3A : memref<!tpu.dma_semaphore, #tpu.memory_space<semaphore_mem>>) src(%dma_wait3A_59 : memref<128xf32, #tpu.memory_space<vmem>>) dst(%dma_wait3A_64 : memref<10000xf32, #tpu.memory_space<vmem_shared>>)
          tpu.yield
        }) : () -> ()
        %scan3A_50 = arith.constant 0 : i32
        scf.yield %scan3A_50 : i32
      }
      %scan3A_46 = arith.constant 40 : i32
      %scan3A_47 = arith.constant 0 : i32
      scf.yield %scan3A_47 : i32
    }
    %scan3A_15 = arith.constant 2 : i32
    %barrier3A_16 = arith.constant 0 : index
    tpu.barrier barrier_id(%barrier3A_16)
    %eq3A_17 = arith.constant 0 : i32
    %eq3A_18 = arith.cmpi eq, %arg0, %eq3A_17 : i32
    %eq3A_19 = arith.constant 0 : i32
    %eq3A_20 = arith.cmpi eq, %arg1, %eq3A_19 : i32
    %and3A = arith.andi %eq3A_18, %eq3A_20 : i1
    %convert_element_type3A_21 = arith.extui %and3A : i1 to i32
    %cond3A_22 = arith.constant 0 : i32
    %cond3A_23 = arith.cmpi ne, %convert_element_type3A_21, %cond3A_22 : i32
    scf.if %cond3A_23 {
      "tpu.region"() ({
        %run_scoped3A = tpu.sem_alloc : memref<!tpu.dma_semaphore, #tpu.memory_space<semaphore_mem>>
        tpu.enqueue_dma source(%arg9 : memref<10000xf32, #tpu.memory_space<vmem_shared>>) target(%arg4 : memref<10000xf32, #tpu.memory_space<hbm>>) target_semaphore(%run_scoped3A : memref<!tpu.dma_semaphore, #tpu.memory_space<semaphore_mem>>)
        tpu.wait_dma2 semaphore(%run_scoped3A : memref<!tpu.dma_semaphore, #tpu.memory_space<semaphore_mem>>) src(%arg9 : memref<10000xf32, #tpu.memory_space<vmem_shared>>) dst(%arg4 : memref<10000xf32, #tpu.memory_space<hbm>>)
        tpu.yield
      }) : () -> ()
    } else {
    }
    %eq3A_24 = arith.constant 1 : i32
    %eq3A_25 = arith.cmpi eq, %arg0, %eq3A_24 : i32
    %eq3A_26 = arith.constant 0 : i32
    %eq3A_27 = arith.cmpi eq, %arg1, %eq3A_26 : i32
    %and3A_28 = arith.andi %eq3A_25, %eq3A_27 : i1
    %convert_element_type3A_29 = arith.extui %and3A_28 : i1 to i32
    %cond3A_30 = arith.constant 0 : i32
    %cond3A_31 = arith.cmpi ne, %convert_element_type3A_29, %cond3A_30 : i32
    scf.if %cond3A_31 {
      "tpu.region"() ({
        %run_scoped3A = tpu.sem_alloc : memref<!tpu.dma_semaphore, #tpu.memory_space<semaphore_mem>>
        tpu.enqueue_dma source(%arg9 : memref<10000xf32, #tpu.memory_space<vmem_shared>>) target(%arg5 : memref<10000xf32, #tpu.memory_space<hbm>>) target_semaphore(%run_scoped3A : memref<!tpu.dma_semaphore, #tpu.memory_space<semaphore_mem>>)
        tpu.wait_dma2 semaphore(%run_scoped3A : memref<!tpu.dma_semaphore, #tpu.memory_space<semaphore_mem>>) src(%arg9 : memref<10000xf32, #tpu.memory_space<vmem_shared>>) dst(%arg5 : memref<10000xf32, #tpu.memory_space<hbm>>)
        tpu.yield
      }) : () -> ()
    } else {
    }
    return
  }
}

#map = affine_map<(d0, d1) -> (0, 0)>
#map1 = affine_map<(d0, d1) -> (0, 0, 0)>
module attributes {stable_mosaic.version = 14 : i64} {
  func.func @_sc_msg(%arg0: i32, %arg1: i32, %arg2: memref<10000x128xf32, #tpu.memory_space<hbm>>, %arg3: memref<2560x128xi32, #tpu.memory_space<hbm>>, %arg4: memref<2560x128xi32, #tpu.memory_space<hbm>>, %arg5: memref<2560x128xf32, #tpu.memory_space<hbm>>, %arg6: memref<2x10000x128xf32, #tpu.memory_space<hbm>>, %arg7: memref<40x128xi32, #tpu.memory_space<vmem>>, %arg8: memref<40x128xi32, #tpu.memory_space<vmem>>, %arg9: memref<40x128xf32, #tpu.memory_space<vmem>>, %arg10: memref<128x128xf32, #tpu.memory_space<vmem>>, %arg11: memref<128x128xf32, #tpu.memory_space<vmem>>, %arg12: memref<10000x128xf32, #tpu.memory_space<vmem_shared>>, %arg13: memref<!tpu.dma_semaphore, #tpu.memory_space<semaphore_mem>>, %arg14: memref<!tpu.dma_semaphore, #tpu.memory_space<semaphore_mem>>) attributes {dimension_semantics = [#tpu.dimension_semantics<core_parallel>, #tpu.dimension_semantics<subcore_parallel>], iteration_bounds = array<i64: 2, 16>, scalar_prefetch = 0 : i64, scratch_operands = 8 : i64, tpu.core_type = #tpu.core_type<sc_vector_subcore>, window_params = [{transform_indices = #map}, {transform_indices = #map}, {transform_indices = #map}, {transform_indices = #map}, {transform_indices = #map1}]} {
    %mul3A = arith.constant 16 : i32
    %mul3A_0 = arith.muli %arg0, %mul3A : i32
    %add3A = arith.addi %mul3A_0, %arg1 : i32
    %broadcast_in_dim3A = arith.constant 0.000000e+00 : f32
    %broadcast_in_dim3A_1 = vector.broadcast %broadcast_in_dim3A : f32 to vector<16xf32>
    %scan3A = arith.constant 0 : i32
    %scan3A_2 = arith.constant 0 : i32
    %scan3A_3 = arith.constant 128 : i32
    %scan3A_4 = arith.addi %scan3A_2, %scan3A_3 : i32
    %scan3A_5 = arith.constant 1 : i32
    %scan3A_6 = scf.for %scan3A_30 = %scan3A_2 to %scan3A_4 step %scan3A_5 iter_args(%scan3A_31 = %scan3A) -> (i32)  : i32 {
      %swap3A = arith.index_cast %scan3A_30 : i32 to index
      %swap3A_32 = arith.constant 0 : index
      %swap3A_33 = tpu.vector_load %arg10[%swap3A, %swap3A_32] {strides = array<i32>} : memref<128x128xf32, #tpu.memory_space<vmem>>, vector<16xf32>,
      tpu.vector_store %arg10[%swap3A, %swap3A_32], %broadcast_in_dim3A_1 {strides = array<i32>} : memref<128x128xf32, #tpu.memory_space<vmem>>, vector<16xf32>,
      %swap3A_34 = arith.index_cast %scan3A_30 : i32 to index
      %swap3A_35 = arith.constant 16 : index
      %swap3A_36 = tpu.vector_load %arg10[%swap3A_34, %swap3A_35] {strides = array<i32>} : memref<128x128xf32, #tpu.memory_space<vmem>>, vector<16xf32>,
      tpu.vector_store %arg10[%swap3A_34, %swap3A_35], %broadcast_in_dim3A_1 {strides = array<i32>} : memref<128x128xf32, #tpu.memory_space<vmem>>, vector<16xf32>,
      %swap3A_37 = arith.index_cast %scan3A_30 : i32 to index
      %swap3A_38 = arith.constant 32 : index
      %swap3A_39 = tpu.vector_load %arg10[%swap3A_37, %swap3A_38] {strides = array<i32>} : memref<128x128xf32, #tpu.memory_space<vmem>>, vector<16xf32>,
      tpu.vector_store %arg10[%swap3A_37, %swap3A_38], %broadcast_in_dim3A_1 {strides = array<i32>} : memref<128x128xf32, #tpu.memory_space<vmem>>, vector<16xf32>,
      %swap3A_40 = arith.index_cast %scan3A_30 : i32 to index
      %swap3A_41 = arith.constant 48 : index
      %swap3A_42 = tpu.vector_load %arg10[%swap3A_40, %swap3A_41] {strides = array<i32>} : memref<128x128xf32, #tpu.memory_space<vmem>>, vector<16xf32>,
      tpu.vector_store %arg10[%swap3A_40, %swap3A_41], %broadcast_in_dim3A_1 {strides = array<i32>} : memref<128x128xf32, #tpu.memory_space<vmem>>, vector<16xf32>,
      %swap3A_43 = arith.index_cast %scan3A_30 : i32 to index
      %swap3A_44 = arith.constant 64 : index
      %swap3A_45 = tpu.vector_load %arg10[%swap3A_43, %swap3A_44] {strides = array<i32>} : memref<128x128xf32, #tpu.memory_space<vmem>>, vector<16xf32>,
      tpu.vector_store %arg10[%swap3A_43, %swap3A_44], %broadcast_in_dim3A_1 {strides = array<i32>} : memref<128x128xf32, #tpu.memory_space<vmem>>, vector<16xf32>,
      %swap3A_46 = arith.index_cast %scan3A_30 : i32 to index
      %swap3A_47 = arith.constant 80 : index
      %swap3A_48 = tpu.vector_load %arg10[%swap3A_46, %swap3A_47] {strides = array<i32>} : memref<128x128xf32, #tpu.memory_space<vmem>>, vector<16xf32>,
      tpu.vector_store %arg10[%swap3A_46, %swap3A_47], %broadcast_in_dim3A_1 {strides = array<i32>} : memref<128x128xf32, #tpu.memory_space<vmem>>, vector<16xf32>,
      %swap3A_49 = arith.index_cast %scan3A_30 : i32 to index
      %swap3A_50 = arith.constant 96 : index
      %swap3A_51 = tpu.vector_load %arg10[%swap3A_49, %swap3A_50] {strides = array<i32>} : memref<128x128xf32, #tpu.memory_space<vmem>>, vector<16xf32>,
      tpu.vector_store %arg10[%swap3A_49, %swap3A_50], %broadcast_in_dim3A_1 {strides = array<i32>} : memref<128x128xf32, #tpu.memory_space<vmem>>, vector<16xf32>,
      %swap3A_52 = arith.index_cast %scan3A_30 : i32 to index
      %swap3A_53 = arith.constant 112 : index
      %swap3A_54 = tpu.vector_load %arg10[%swap3A_52, %swap3A_53] {strides = array<i32>} : memref<128x128xf32, #tpu.memory_space<vmem>>, vector<16xf32>,
      tpu.vector_store %arg10[%swap3A_52, %swap3A_53], %broadcast_in_dim3A_1 {strides = array<i32>} : memref<128x128xf32, #tpu.memory_space<vmem>>, vector<16xf32>,
      %scan3A_55 = arith.constant 0 : i32
      scf.yield %scan3A_55 : i32
    }
    %scan3A_7 = arith.constant 128 : i32
    %scan3A_8 = arith.constant 0 : i32
    %scan3A_9 = arith.constant 0 : i32
    %scan3A_10 = arith.constant 8 : i32
    %scan3A_11 = arith.addi %scan3A_9, %scan3A_10 : i32
    %scan3A_12 = arith.constant 1 : i32
    %scan3A_13 = scf.for %scan3A_30 = %scan3A_9 to %scan3A_11 step %scan3A_12 iter_args(%scan3A_31 = %scan3A_8) -> (i32)  : i32 {
      %mul3A_32 = arith.constant 16 : i32
      %mul3A_33 = arith.muli %scan3A_30, %mul3A_32 : i32
      %add3A_34 = arith.addi %arg1, %mul3A_33 : i32
      %lt3A = arith.constant 125 : i32
      %lt3A_35 = arith.cmpi slt, %add3A_34, %lt3A : i32
      %convert_element_type3A = arith.extui %lt3A_35 : i1 to i32
      %cond3A = arith.constant 0 : i32
      %cond3A_36 = arith.cmpi ne, %convert_element_type3A, %cond3A : i32
      scf.if %cond3A_36 {
        %mul3A_38 = arith.constant 80 : i32
        %mul3A_39 = arith.muli %add3A_34, %mul3A_38 : i32
        "tpu.region"() ({
          %run_scoped3A = tpu.sem_alloc : memref<!tpu.dma_semaphore, #tpu.memory_space<semaphore_mem>>
          %dma_start3A = arith.constant 0 : i32
          %dma_start3A_40 = arith.constant 0 : i32
          %dma_start3A_41 = tpu.memref_slice %arg10[%dma_start3A, %dma_start3A_40] : memref<128x128xf32, #tpu.memory_space<vmem>> -> memref<80x128xf32, #tpu.memory_space<vmem>>
          %dma_start3A_42 = arith.constant 0 : i32
          %dma_start3A_43 = tpu.memref_slice %arg12[%mul3A_39, %dma_start3A_42] : memref<10000x128xf32, #tpu.memory_space<vmem_shared>> -> memref<80x128xf32, #tpu.memory_space<vmem_shared>>
          %dma_start3A_44 = arith.constant 0 : i32
          %dma_start3A_45 = tpu.memref_slice %arg12[%mul3A_39, %dma_start3A_44] : memref<10000x128xf32, #tpu.memory_space<vmem_shared>> -> memref<80x128xf32, #tpu.memory_space<vmem_shared>>
          %dma_start3A_46 = arith.constant 0 : i32
          %dma_start3A_47 = arith.constant 0 : i32
          %dma_start3A_48 = tpu.memref_slice %arg10[%dma_start3A_46, %dma_start3A_47] : memref<128x128xf32, #tpu.memory_space<vmem>> -> memref<80x128xf32, #tpu.memory_space<vmem>>
          tpu.enqueue_dma source(%dma_start3A_48 : memref<80x128xf32, #tpu.memory_space<vmem>>) target(%dma_start3A_45 : memref<80x128xf32, #tpu.memory_space<vmem_shared>>) target_semaphore(%run_scoped3A : memref<!tpu.dma_semaphore, #tpu.memory_space<semaphore_mem>>)
          %dma_wait3A = arith.constant 0 : i32
          %dma_wait3A_49 = arith.constant 0 : i32
          %dma_wait3A_50 = tpu.memref_slice %arg10[%dma_wait3A, %dma_wait3A_49] : memref<128x128xf32, #tpu.memory_space<vmem>> -> memref<80x128xf32, #tpu.memory_space<vmem>>
          %dma_wait3A_51 = arith.constant 0 : i32
          %dma_wait3A_52 = tpu.memref_slice %arg12[%mul3A_39, %dma_wait3A_51] : memref<10000x128xf32, #tpu.memory_space<vmem_shared>> -> memref<80x128xf32, #tpu.memory_space<vmem_shared>>
          %dma_wait3A_53 = arith.constant 0 : i32
          %dma_wait3A_54 = tpu.memref_slice %arg12[%mul3A_39, %dma_wait3A_53] : memref<10000x128xf32, #tpu.memory_space<vmem_shared>> -> memref<80x128xf32, #tpu.memory_space<vmem_shared>>
          %dma_wait3A_55 = arith.constant 0 : i32
          %dma_wait3A_56 = arith.constant 0 : i32
          %dma_wait3A_57 = tpu.memref_slice %arg10[%dma_wait3A_55, %dma_wait3A_56] : memref<128x128xf32, #tpu.memory_space<vmem>> -> memref<80x128xf32, #tpu.memory_space<vmem>>
          tpu.wait_dma2 semaphore(%run_scoped3A : memref<!tpu.dma_semaphore, #tpu.memory_space<semaphore_mem>>) src(%dma_wait3A_57 : memref<80x128xf32, #tpu.memory_space<vmem>>) dst(%dma_wait3A_54 : memref<80x128xf32, #tpu.memory_space<vmem_shared>>)
          tpu.yield
        }) : () -> ()
      } else {
      }
      %scan3A_37 = arith.constant 0 : i32
      scf.yield %scan3A_37 : i32
    }
    %scan3A_14 = arith.constant 8 : i32
    %barrier3A = arith.constant 0 : index
    tpu.barrier barrier_id(%barrier3A)
    %scan3A_15 = arith.constant 0 : i32
    %scan3A_16 = arith.constant 0 : i32
    %scan3A_17 = arith.constant 2 : i32
    %scan3A_18 = arith.addi %scan3A_16, %scan3A_17 : i32
    %scan3A_19 = arith.constant 1 : i32
    %scan3A_20 = scf.for %scan3A_30 = %scan3A_16 to %scan3A_18 step %scan3A_19 iter_args(%scan3A_31 = %scan3A_15) -> (i32)  : i32 {
      %mul3A_32 = arith.constant 80 : i32
      %mul3A_33 = arith.muli %add3A, %mul3A_32 : i32
      %mul3A_34 = arith.constant 40 : i32
      %mul3A_35 = arith.muli %scan3A_30, %mul3A_34 : i32
      %add3A_36 = arith.addi %mul3A_33, %mul3A_35 : i32
      "tpu.region"() ({
        %run_scoped3A = tpu.sem_alloc : memref<!tpu.dma_semaphore, #tpu.memory_space<semaphore_mem>>
        %dma_start3A_51 = arith.constant 0 : i32
        %dma_start3A_52 = tpu.memref_slice %arg3[%add3A_36, %dma_start3A_51] : memref<2560x128xi32, #tpu.memory_space<hbm>> -> memref<40x128xi32, #tpu.memory_space<hbm>>
        %dma_start3A_53 = arith.constant 0 : i32
        %dma_start3A_54 = tpu.memref_slice %arg3[%add3A_36, %dma_start3A_53] : memref<2560x128xi32, #tpu.memory_space<hbm>> -> memref<40x128xi32, #tpu.memory_space<hbm>>
        tpu.enqueue_dma source(%dma_start3A_54 : memref<40x128xi32, #tpu.memory_space<hbm>>) target(%arg7 : memref<40x128xi32, #tpu.memory_space<vmem>>) target_semaphore(%run_scoped3A : memref<!tpu.dma_semaphore, #tpu.memory_space<semaphore_mem>>)
        %dma_wait3A = arith.constant 0 : i32
        %dma_wait3A_55 = tpu.memref_slice %arg3[%add3A_36, %dma_wait3A] : memref<2560x128xi32, #tpu.memory_space<hbm>> -> memref<40x128xi32, #tpu.memory_space<hbm>>
        %dma_wait3A_56 = arith.constant 0 : i32
        %dma_wait3A_57 = tpu.memref_slice %arg3[%add3A_36, %dma_wait3A_56] : memref<2560x128xi32, #tpu.memory_space<hbm>> -> memref<40x128xi32, #tpu.memory_space<hbm>>
        tpu.wait_dma2 semaphore(%run_scoped3A : memref<!tpu.dma_semaphore, #tpu.memory_space<semaphore_mem>>) src(%dma_wait3A_57 : memref<40x128xi32, #tpu.memory_space<hbm>>) dst(%arg7 : memref<40x128xi32, #tpu.memory_space<vmem>>)
        tpu.yield
      }) : () -> ()
      "tpu.region"() ({
        %run_scoped3A = tpu.sem_alloc : memref<!tpu.dma_semaphore, #tpu.memory_space<semaphore_mem>>
        %dma_start3A_51 = arith.constant 0 : i32
        %dma_start3A_52 = tpu.memref_slice %arg4[%add3A_36, %dma_start3A_51] : memref<2560x128xi32, #tpu.memory_space<hbm>> -> memref<40x128xi32, #tpu.memory_space<hbm>>
        %dma_start3A_53 = arith.constant 0 : i32
        %dma_start3A_54 = tpu.memref_slice %arg4[%add3A_36, %dma_start3A_53] : memref<2560x128xi32, #tpu.memory_space<hbm>> -> memref<40x128xi32, #tpu.memory_space<hbm>>
        tpu.enqueue_dma source(%dma_start3A_54 : memref<40x128xi32, #tpu.memory_space<hbm>>) target(%arg8 : memref<40x128xi32, #tpu.memory_space<vmem>>) target_semaphore(%run_scoped3A : memref<!tpu.dma_semaphore, #tpu.memory_space<semaphore_mem>>)
        %dma_wait3A = arith.constant 0 : i32
        %dma_wait3A_55 = tpu.memref_slice %arg4[%add3A_36, %dma_wait3A] : memref<2560x128xi32, #tpu.memory_space<hbm>> -> memref<40x128xi32, #tpu.memory_space<hbm>>
        %dma_wait3A_56 = arith.constant 0 : i32
        %dma_wait3A_57 = tpu.memref_slice %arg4[%add3A_36, %dma_wait3A_56] : memref<2560x128xi32, #tpu.memory_space<hbm>> -> memref<40x128xi32, #tpu.memory_space<hbm>>
        tpu.wait_dma2 semaphore(%run_scoped3A : memref<!tpu.dma_semaphore, #tpu.memory_space<semaphore_mem>>) src(%dma_wait3A_57 : memref<40x128xi32, #tpu.memory_space<hbm>>) dst(%arg8 : memref<40x128xi32, #tpu.memory_space<vmem>>)
        tpu.yield
      }) : () -> ()
      "tpu.region"() ({
        %run_scoped3A = tpu.sem_alloc : memref<!tpu.dma_semaphore, #tpu.memory_space<semaphore_mem>>
        %dma_start3A_51 = arith.constant 0 : i32
        %dma_start3A_52 = tpu.memref_slice %arg5[%add3A_36, %dma_start3A_51] : memref<2560x128xf32, #tpu.memory_space<hbm>> -> memref<40x128xf32, #tpu.memory_space<hbm>>
        %dma_start3A_53 = arith.constant 0 : i32
        %dma_start3A_54 = tpu.memref_slice %arg5[%add3A_36, %dma_start3A_53] : memref<2560x128xf32, #tpu.memory_space<hbm>> -> memref<40x128xf32, #tpu.memory_space<hbm>>
        tpu.enqueue_dma source(%dma_start3A_54 : memref<40x128xf32, #tpu.memory_space<hbm>>) target(%arg9 : memref<40x128xf32, #tpu.memory_space<vmem>>) target_semaphore(%run_scoped3A : memref<!tpu.dma_semaphore, #tpu.memory_space<semaphore_mem>>)
        %dma_wait3A = arith.constant 0 : i32
        %dma_wait3A_55 = tpu.memref_slice %arg5[%add3A_36, %dma_wait3A] : memref<2560x128xf32, #tpu.memory_space<hbm>> -> memref<40x128xf32, #tpu.memory_space<hbm>>
        %dma_wait3A_56 = arith.constant 0 : i32
        %dma_wait3A_57 = tpu.memref_slice %arg5[%add3A_36, %dma_wait3A_56] : memref<2560x128xf32, #tpu.memory_space<hbm>> -> memref<40x128xf32, #tpu.memory_space<hbm>>
        tpu.wait_dma2 semaphore(%run_scoped3A : memref<!tpu.dma_semaphore, #tpu.memory_space<semaphore_mem>>) src(%dma_wait3A_57 : memref<40x128xf32, #tpu.memory_space<hbm>>) dst(%arg9 : memref<40x128xf32, #tpu.memory_space<vmem>>)
        tpu.yield
      }) : () -> ()
      %dma_start3A = arith.constant 0 : i32
      %dma_start3A_37 = arith.constant 0 : i32
      %dma_start3A_38 = tpu.memref_slice %arg7[%dma_start3A, %dma_start3A_37] : memref<40x128xi32, #tpu.memory_space<vmem>> -> memref<1x128xi32, #tpu.memory_space<vmem>>
      %dma_start3A_39 = tpu.memref_squeeze %dma_start3A_38 : memref<1x128xi32, #tpu.memory_space<vmem>> -> memref<128xi32, #tpu.memory_space<vmem>>
      %dma_start3A_40 = arith.constant 0 : i32
      %dma_start3A_41 = arith.constant 0 : i32
      %dma_start3A_42 = tpu.memref_slice %arg2[%dma_start3A_40, %dma_start3A_41] : memref<10000x128xf32, #tpu.memory_space<hbm>> -> memref<10000x128xf32, #tpu.memory_space<hbm>>
      tpu.enqueue_indirect_dma source(%dma_start3A_42 : memref<10000x128xf32, #tpu.memory_space<hbm>>) target(%arg10 : memref<128x128xf32, #tpu.memory_space<vmem>>) offsets(%dma_start3A_39 : memref<128xi32, #tpu.memory_space<vmem>>) semaphore(%arg13 : memref<!tpu.dma_semaphore, #tpu.memory_space<semaphore_mem>>)
      %scan3A_43 = arith.constant 0 : i32
      %scan3A_44 = arith.constant 0 : i32
      %scan3A_45 = arith.constant 20 : i32
      %scan3A_46 = arith.addi %scan3A_44, %scan3A_45 : i32
      %scan3A_47 = arith.constant 1 : i32
      %scan3A_48 = scf.for %scan3A_51 = %scan3A_44 to %scan3A_46 step %scan3A_47 iter_args(%scan3A_52 = %scan3A_43) -> (i32)  : i32 {
        %mul3A_53 = arith.constant 2 : i32
        %mul3A_54 = arith.muli %mul3A_53, %scan3A_51 : i32
        %mul3A_55 = arith.constant 2 : i32
        %mul3A_56 = arith.muli %mul3A_55, %scan3A_51 : i32
        %add3A_57 = arith.constant 1 : i32
        %add3A_58 = arith.addi %mul3A_56, %add3A_57 : i32
        %dma_wait3A = arith.constant 0 : i32
        %dma_wait3A_59 = tpu.memref_slice %arg7[%mul3A_54, %dma_wait3A] : memref<40x128xi32, #tpu.memory_space<vmem>> -> memref<1x128xi32, #tpu.memory_space<vmem>>
        %dma_wait3A_60 = tpu.memref_squeeze %dma_wait3A_59 : memref<1x128xi32, #tpu.memory_space<vmem>> -> memref<128xi32, #tpu.memory_space<vmem>>
        %dma_wait3A_61 = arith.constant 0 : i32
        %dma_wait3A_62 = arith.constant 0 : i32
        %dma_wait3A_63 = tpu.memref_slice %arg2[%dma_wait3A_61, %dma_wait3A_62] : memref<10000x128xf32, #tpu.memory_space<hbm>> -> memref<10000x128xf32, #tpu.memory_space<hbm>>
        tpu.wait_indirect_dma semaphore(%arg13 : memref<!tpu.dma_semaphore, #tpu.memory_space<semaphore_mem>>) src(%dma_wait3A_63 : memref<10000x128xf32, #tpu.memory_space<hbm>>) dst(%arg10 : memref<128x128xf32, #tpu.memory_space<vmem>>)
        %dma_start3A_64 = arith.constant 0 : i32
        %dma_start3A_65 = tpu.memref_slice %arg7[%add3A_58, %dma_start3A_64] : memref<40x128xi32, #tpu.memory_space<vmem>> -> memref<1x128xi32, #tpu.memory_space<vmem>>
        %dma_start3A_66 = tpu.memref_squeeze %dma_start3A_65 : memref<1x128xi32, #tpu.memory_space<vmem>> -> memref<128xi32, #tpu.memory_space<vmem>>
        %dma_start3A_67 = arith.constant 0 : i32
        %dma_start3A_68 = arith.constant 0 : i32
        %dma_start3A_69 = tpu.memref_slice %arg2[%dma_start3A_67, %dma_start3A_68] : memref<10000x128xf32, #tpu.memory_space<hbm>> -> memref<10000x128xf32, #tpu.memory_space<hbm>>
        tpu.enqueue_indirect_dma source(%dma_start3A_69 : memref<10000x128xf32, #tpu.memory_space<hbm>>) target(%arg11 : memref<128x128xf32, #tpu.memory_space<vmem>>) offsets(%dma_start3A_66 : memref<128xi32, #tpu.memory_space<vmem>>) semaphore(%arg14 : memref<!tpu.dma_semaphore, #tpu.memory_space<semaphore_mem>>)
        %broadcast_in_dim3A_70 = vector.broadcast %mul3A_54 : i32 to vector<16xi32>
        %scan3A_71 = arith.constant 0 : i32
        %scan3A_72 = arith.constant 0 : i32
        %scan3A_73 = arith.constant 32 : i32
        %scan3A_74 = arith.addi %scan3A_72, %scan3A_73 : i32
        %scan3A_75 = arith.constant 1 : i32
        %scan3A_76 = scf.for %scan3A_95 = %scan3A_72 to %scan3A_74 step %scan3A_75 iter_args(%scan3A_96 = %scan3A_71) -> (i32)  : i32 {
          %mul3A_97 = arith.constant 4 : i32
          %mul3A_98 = arith.muli %scan3A_95, %mul3A_97 : i32
          %add3A_99 = arith.constant 0 : i32
          %add3A_100 = arith.addi %mul3A_98, %add3A_99 : i32
          %broadcast_in_dim3A_101 = vector.broadcast %add3A_100 : i32 to vector<16xi32>
          %gather3A = tpu.vector_load_idx %arg9[%broadcast_in_dim3A_70, %broadcast_in_dim3A_101] : memref<40x128xf32, #tpu.memory_space<vmem>>[vector<16xi32>, vector<16xi32>], vector<16xf32>,
          %add3A_102 = arith.constant 1 : i32
          %add3A_103 = arith.addi %mul3A_98, %add3A_102 : i32
          %broadcast_in_dim3A_104 = vector.broadcast %add3A_103 : i32 to vector<16xi32>
          %gather3A_105 = tpu.vector_load_idx %arg9[%broadcast_in_dim3A_70, %broadcast_in_dim3A_104] : memref<40x128xf32, #tpu.memory_space<vmem>>[vector<16xi32>, vector<16xi32>], vector<16xf32>,
          %add3A_106 = arith.constant 2 : i32
          %add3A_107 = arith.addi %mul3A_98, %add3A_106 : i32
          %broadcast_in_dim3A_108 = vector.broadcast %add3A_107 : i32 to vector<16xi32>
          %gather3A_109 = tpu.vector_load_idx %arg9[%broadcast_in_dim3A_70, %broadcast_in_dim3A_108] : memref<40x128xf32, #tpu.memory_space<vmem>>[vector<16xi32>, vector<16xi32>], vector<16xf32>,
          %add3A_110 = arith.constant 3 : i32
          %add3A_111 = arith.addi %mul3A_98, %add3A_110 : i32
          %broadcast_in_dim3A_112 = vector.broadcast %add3A_111 : i32 to vector<16xi32>
          %gather3A_113 = tpu.vector_load_idx %arg9[%broadcast_in_dim3A_70, %broadcast_in_dim3A_112] : memref<40x128xf32, #tpu.memory_space<vmem>>[vector<16xi32>, vector<16xi32>], vector<16xf32>,
          %add3A_114 = arith.constant 0 : i32
          %add3A_115 = arith.addi %mul3A_98, %add3A_114 : i32
          %get3A = arith.index_cast %add3A_115 : i32 to index
          %get3A_116 = arith.constant 0 : index
          %get3A_117 = tpu.vector_load %arg10[%get3A, %get3A_116] {strides = array<i32>} : memref<128x128xf32, #tpu.memory_space<vmem>>, vector<16xf32>,
          %mul3A_118 = arith.mulf %get3A_117, %gather3A : vector<16xf32>
          %add3A_119 = arith.constant 0 : i32
          %add3A_120 = arith.addi %mul3A_98, %add3A_119 : i32
          %swap3A = arith.index_cast %add3A_120 : i32 to index
          %swap3A_121 = arith.constant 0 : index
          %swap3A_122 = tpu.vector_load %arg10[%swap3A, %swap3A_121] {strides = array<i32>} : memref<128x128xf32, #tpu.memory_space<vmem>>, vector<16xf32>,
          tpu.vector_store %arg10[%swap3A, %swap3A_121], %mul3A_118 {strides = array<i32>} : memref<128x128xf32, #tpu.memory_space<vmem>>, vector<16xf32>,
          %add3A_123 = arith.constant 1 : i32
          %add3A_124 = arith.addi %mul3A_98, %add3A_123 : i32
          %get3A_125 = arith.index_cast %add3A_124 : i32 to index
          %get3A_126 = arith.constant 0 : index
          %get3A_127 = tpu.vector_load %arg10[%get3A_125, %get3A_126] {strides = array<i32>} : memref<128x128xf32, #tpu.memory_space<vmem>>, vector<16xf32>,
          %mul3A_128 = arith.mulf %get3A_127, %gather3A_105 : vector<16xf32>
          %add3A_129 = arith.constant 1 : i32
          %add3A_130 = arith.addi %mul3A_98, %add3A_129 : i32
          %swap3A_131 = arith.index_cast %add3A_130 : i32 to index
          %swap3A_132 = arith.constant 0 : index
          %swap3A_133 = tpu.vector_load %arg10[%swap3A_131, %swap3A_132] {strides = array<i32>} : memref<128x128xf32, #tpu.memory_space<vmem>>, vector<16xf32>,
          tpu.vector_store %arg10[%swap3A_131, %swap3A_132], %mul3A_128 {strides = array<i32>} : memref<128x128xf32, #tpu.memory_space<vmem>>, vector<16xf32>,
          %add3A_134 = arith.constant 2 : i32
          %add3A_135 = arith.addi %mul3A_98, %add3A_134 : i32
          %get3A_136 = arith.index_cast %add3A_135 : i32 to index
          %get3A_137 = arith.constant 0 : index
          %get3A_138 = tpu.vector_load %arg10[%get3A_136, %get3A_137] {strides = array<i32>} : memref<128x128xf32, #tpu.memory_space<vmem>>, vector<16xf32>,
          %mul3A_139 = arith.mulf %get3A_138, %gather3A_109 : vector<16xf32>
          %add3A_140 = arith.constant 2 : i32
          %add3A_141 = arith.addi %mul3A_98, %add3A_140 : i32
          %swap3A_142 = arith.index_cast %add3A_141 : i32 to index
          %swap3A_143 = arith.constant 0 : index
          %swap3A_144 = tpu.vector_load %arg10[%swap3A_142, %swap3A_143] {strides = array<i32>} : memref<128x128xf32, #tpu.memory_space<vmem>>, vector<16xf32>,
          tpu.vector_store %arg10[%swap3A_142, %swap3A_143], %mul3A_139 {strides = array<i32>} : memref<128x128xf32, #tpu.memory_space<vmem>>, vector<16xf32>,
          %add3A_145 = arith.constant 3 : i32
          %add3A_146 = arith.addi %mul3A_98, %add3A_145 : i32
          %get3A_147 = arith.index_cast %add3A_146 : i32 to index
          %get3A_148 = arith.constant 0 : index
          %get3A_149 = tpu.vector_load %arg10[%get3A_147, %get3A_148] {strides = array<i32>} : memref<128x128xf32, #tpu.memory_space<vmem>>, vector<16xf32>,
          %mul3A_150 = arith.mulf %get3A_149, %gather3A_113 : vector<16xf32>
          %add3A_151 = arith.constant 3 : i32
          %add3A_152 = arith.addi %mul3A_98, %add3A_151 : i32
          %swap3A_153 = arith.index_cast %add3A_152 : i32 to index
          %swap3A_154 = arith.constant 0 : index
          %swap3A_155 = tpu.vector_load %arg10[%swap3A_153, %swap3A_154] {strides = array<i32>} : memref<128x128xf32, #tpu.memory_space<vmem>>, vector<16xf32>,
          tpu.vector_store %arg10[%swap3A_153, %swap3A_154], %mul3A_150 {strides = array<i32>} : memref<128x128xf32, #tpu.memory_space<vmem>>, vector<16xf32>,
          %add3A_156 = arith.constant 0 : i32
          %add3A_157 = arith.addi %mul3A_98, %add3A_156 : i32
          %get3A_158 = arith.index_cast %add3A_157 : i32 to index
          %get3A_159 = arith.constant 16 : index
          %get3A_160 = tpu.vector_load %arg10[%get3A_158, %get3A_159] {strides = array<i32>} : memref<128x128xf32, #tpu.memory_space<vmem>>, vector<16xf32>,
          %mul3A_161 = arith.mulf %get3A_160, %gather3A : vector<16xf32>
          %add3A_162 = arith.constant 0 : i32
          %add3A_163 = arith.addi %mul3A_98, %add3A_162 : i32
          %swap3A_164 = arith.index_cast %add3A_163 : i32 to index
          %swap3A_165 = arith.constant 16 : index
          %swap3A_166 = tpu.vector_load %arg10[%swap3A_164, %swap3A_165] {strides = array<i32>} : memref<128x128xf32, #tpu.memory_space<vmem>>, vector<16xf32>,
          tpu.vector_store %arg10[%swap3A_164, %swap3A_165], %mul3A_161 {strides = array<i32>} : memref<128x128xf32, #tpu.memory_space<vmem>>, vector<16xf32>,
          %add3A_167 = arith.constant 1 : i32
          %add3A_168 = arith.addi %mul3A_98, %add3A_167 : i32
          %get3A_169 = arith.index_cast %add3A_168 : i32 to index
          %get3A_170 = arith.constant 16 : index
          %get3A_171 = tpu.vector_load %arg10[%get3A_169, %get3A_170] {strides = array<i32>} : memref<128x128xf32, #tpu.memory_space<vmem>>, vector<16xf32>,
          %mul3A_172 = arith.mulf %get3A_171, %gather3A_105 : vector<16xf32>
          %add3A_173 = arith.constant 1 : i32
          %add3A_174 = arith.addi %mul3A_98, %add3A_173 : i32
          %swap3A_175 = arith.index_cast %add3A_174 : i32 to index
          %swap3A_176 = arith.constant 16 : index
          %swap3A_177 = tpu.vector_load %arg10[%swap3A_175, %swap3A_176] {strides = array<i32>} : memref<128x128xf32, #tpu.memory_space<vmem>>, vector<16xf32>,
          tpu.vector_store %arg10[%swap3A_175, %swap3A_176], %mul3A_172 {strides = array<i32>} : memref<128x128xf32, #tpu.memory_space<vmem>>, vector<16xf32>,
          %add3A_178 = arith.constant 2 : i32
          %add3A_179 = arith.addi %mul3A_98, %add3A_178 : i32
          %get3A_180 = arith.index_cast %add3A_179 : i32 to index
          %get3A_181 = arith.constant 16 : index
          %get3A_182 = tpu.vector_load %arg10[%get3A_180, %get3A_181] {strides = array<i32>} : memref<128x128xf32, #tpu.memory_space<vmem>>, vector<16xf32>,
          %mul3A_183 = arith.mulf %get3A_182, %gather3A_109 : vector<16xf32>
          %add3A_184 = arith.constant 2 : i32
          %add3A_185 = arith.addi %mul3A_98, %add3A_184 : i32
          %swap3A_186 = arith.index_cast %add3A_185 : i32 to index
          %swap3A_187 = arith.constant 16 : index
          %swap3A_188 = tpu.vector_load %arg10[%swap3A_186, %swap3A_187] {strides = array<i32>} : memref<128x128xf32, #tpu.memory_space<vmem>>, vector<16xf32>,
          tpu.vector_store %arg10[%swap3A_186, %swap3A_187], %mul3A_183 {strides = array<i32>} : memref<128x128xf32, #tpu.memory_space<vmem>>, vector<16xf32>,
          %add3A_189 = arith.constant 3 : i32
          %add3A_190 = arith.addi %mul3A_98, %add3A_189 : i32
          %get3A_191 = arith.index_cast %add3A_190 : i32 to index
          %get3A_192 = arith.constant 16 : index
          %get3A_193 = tpu.vector_load %arg10[%get3A_191, %get3A_192] {strides = array<i32>} : memref<128x128xf32, #tpu.memory_space<vmem>>, vector<16xf32>,
          %mul3A_194 = arith.mulf %get3A_193, %gather3A_113 : vector<16xf32>
          %add3A_195 = arith.constant 3 : i32
          %add3A_196 = arith.addi %mul3A_98, %add3A_195 : i32
          %swap3A_197 = arith.index_cast %add3A_196 : i32 to index
          %swap3A_198 = arith.constant 16 : index
          %swap3A_199 = tpu.vector_load %arg10[%swap3A_197, %swap3A_198] {strides = array<i32>} : memref<128x128xf32, #tpu.memory_space<vmem>>, vector<16xf32>,
          tpu.vector_store %arg10[%swap3A_197, %swap3A_198], %mul3A_194 {strides = array<i32>} : memref<128x128xf32, #tpu.memory_space<vmem>>, vector<16xf32>,
          %add3A_200 = arith.constant 0 : i32
          %add3A_201 = arith.addi %mul3A_98, %add3A_200 : i32
          %get3A_202 = arith.index_cast %add3A_201 : i32 to index
          %get3A_203 = arith.constant 32 : index
          %get3A_204 = tpu.vector_load %arg10[%get3A_202, %get3A_203] {strides = array<i32>} : memref<128x128xf32, #tpu.memory_space<vmem>>, vector<16xf32>,
          %mul3A_205 = arith.mulf %get3A_204, %gather3A : vector<16xf32>
          %add3A_206 = arith.constant 0 : i32
          %add3A_207 = arith.addi %mul3A_98, %add3A_206 : i32
          %swap3A_208 = arith.index_cast %add3A_207 : i32 to index
          %swap3A_209 = arith.constant 32 : index
          %swap3A_210 = tpu.vector_load %arg10[%swap3A_208, %swap3A_209] {strides = array<i32>} : memref<128x128xf32, #tpu.memory_space<vmem>>, vector<16xf32>,
          tpu.vector_store %arg10[%swap3A_208, %swap3A_209], %mul3A_205 {strides = array<i32>} : memref<128x128xf32, #tpu.memory_space<vmem>>, vector<16xf32>,
          %add3A_211 = arith.constant 1 : i32
          %add3A_212 = arith.addi %mul3A_98, %add3A_211 : i32
          %get3A_213 = arith.index_cast %add3A_212 : i32 to index
          %get3A_214 = arith.constant 32 : index
          %get3A_215 = tpu.vector_load %arg10[%get3A_213, %get3A_214] {strides = array<i32>} : memref<128x128xf32, #tpu.memory_space<vmem>>, vector<16xf32>,
          %mul3A_216 = arith.mulf %get3A_215, %gather3A_105 : vector<16xf32>
          %add3A_217 = arith.constant 1 : i32
          %add3A_218 = arith.addi %mul3A_98, %add3A_217 : i32
          %swap3A_219 = arith.index_cast %add3A_218 : i32 to index
          %swap3A_220 = arith.constant 32 : index
          %swap3A_221 = tpu.vector_load %arg10[%swap3A_219, %swap3A_220] {strides = array<i32>} : memref<128x128xf32, #tpu.memory_space<vmem>>, vector<16xf32>,
          tpu.vector_store %arg10[%swap3A_219, %swap3A_220], %mul3A_216 {strides = array<i32>} : memref<128x128xf32, #tpu.memory_space<vmem>>, vector<16xf32>,
          %add3A_222 = arith.constant 2 : i32
          %add3A_223 = arith.addi %mul3A_98, %add3A_222 : i32
          %get3A_224 = arith.index_cast %add3A_223 : i32 to index
          %get3A_225 = arith.constant 32 : index
          %get3A_226 = tpu.vector_load %arg10[%get3A_224, %get3A_225] {strides = array<i32>} : memref<128x128xf32, #tpu.memory_space<vmem>>, vector<16xf32>,
          %mul3A_227 = arith.mulf %get3A_226, %gather3A_109 : vector<16xf32>
          %add3A_228 = arith.constant 2 : i32
          %add3A_229 = arith.addi %mul3A_98, %add3A_228 : i32
          %swap3A_230 = arith.index_cast %add3A_229 : i32 to index
          %swap3A_231 = arith.constant 32 : index
          %swap3A_232 = tpu.vector_load %arg10[%swap3A_230, %swap3A_231] {strides = array<i32>} : memref<128x128xf32, #tpu.memory_space<vmem>>, vector<16xf32>,
          tpu.vector_store %arg10[%swap3A_230, %swap3A_231], %mul3A_227 {strides = array<i32>} : memref<128x128xf32, #tpu.memory_space<vmem>>, vector<16xf32>,
          %add3A_233 = arith.constant 3 : i32
          %add3A_234 = arith.addi %mul3A_98, %add3A_233 : i32
          %get3A_235 = arith.index_cast %add3A_234 : i32 to index
          %get3A_236 = arith.constant 32 : index
          %get3A_237 = tpu.vector_load %arg10[%get3A_235, %get3A_236] {strides = array<i32>} : memref<128x128xf32, #tpu.memory_space<vmem>>, vector<16xf32>,
          %mul3A_238 = arith.mulf %get3A_237, %gather3A_113 : vector<16xf32>
          %add3A_239 = arith.constant 3 : i32
          %add3A_240 = arith.addi %mul3A_98, %add3A_239 : i32
          %swap3A_241 = arith.index_cast %add3A_240 : i32 to index
          %swap3A_242 = arith.constant 32 : index
          %swap3A_243 = tpu.vector_load %arg10[%swap3A_241, %swap3A_242] {strides = array<i32>} : memref<128x128xf32, #tpu.memory_space<vmem>>, vector<16xf32>,
          tpu.vector_store %arg10[%swap3A_241, %swap3A_242], %mul3A_238 {strides = array<i32>} : memref<128x128xf32, #tpu.memory_space<vmem>>, vector<16xf32>,
          %add3A_244 = arith.constant 0 : i32
          %add3A_245 = arith.addi %mul3A_98, %add3A_244 : i32
          %get3A_246 = arith.index_cast %add3A_245 : i32 to index
          %get3A_247 = arith.constant 48 : index
          %get3A_248 = tpu.vector_load %arg10[%get3A_246, %get3A_247] {strides = array<i32>} : memref<128x128xf32, #tpu.memory_space<vmem>>, vector<16xf32>,
          %mul3A_249 = arith.mulf %get3A_248, %gather3A : vector<16xf32>
          %add3A_250 = arith.constant 0 : i32
          %add3A_251 = arith.addi %mul3A_98, %add3A_250 : i32
          %swap3A_252 = arith.index_cast %add3A_251 : i32 to index
          %swap3A_253 = arith.constant 48 : index
          %swap3A_254 = tpu.vector_load %arg10[%swap3A_252, %swap3A_253] {strides = array<i32>} : memref<128x128xf32, #tpu.memory_space<vmem>>, vector<16xf32>,
          tpu.vector_store %arg10[%swap3A_252, %swap3A_253], %mul3A_249 {strides = array<i32>} : memref<128x128xf32, #tpu.memory_space<vmem>>, vector<16xf32>,
          %add3A_255 = arith.constant 1 : i32
          %add3A_256 = arith.addi %mul3A_98, %add3A_255 : i32
          %get3A_257 = arith.index_cast %add3A_256 : i32 to index
          %get3A_258 = arith.constant 48 : index
          %get3A_259 = tpu.vector_load %arg10[%get3A_257, %get3A_258] {strides = array<i32>} : memref<128x128xf32, #tpu.memory_space<vmem>>, vector<16xf32>,
          %mul3A_260 = arith.mulf %get3A_259, %gather3A_105 : vector<16xf32>
          %add3A_261 = arith.constant 1 : i32
          %add3A_262 = arith.addi %mul3A_98, %add3A_261 : i32
          %swap3A_263 = arith.index_cast %add3A_262 : i32 to index
          %swap3A_264 = arith.constant 48 : index
          %swap3A_265 = tpu.vector_load %arg10[%swap3A_263, %swap3A_264] {strides = array<i32>} : memref<128x128xf32, #tpu.memory_space<vmem>>, vector<16xf32>,
          tpu.vector_store %arg10[%swap3A_263, %swap3A_264], %mul3A_260 {strides = array<i32>} : memref<128x128xf32, #tpu.memory_space<vmem>>, vector<16xf32>,
          %add3A_266 = arith.constant 2 : i32
          %add3A_267 = arith.addi %mul3A_98, %add3A_266 : i32
          %get3A_268 = arith.index_cast %add3A_267 : i32 to index
          %get3A_269 = arith.constant 48 : index
          %get3A_270 = tpu.vector_load %arg10[%get3A_268, %get3A_269] {strides = array<i32>} : memref<128x128xf32, #tpu.memory_space<vmem>>, vector<16xf32>,
          %mul3A_271 = arith.mulf %get3A_270, %gather3A_109 : vector<16xf32>
          %add3A_272 = arith.constant 2 : i32
          %add3A_273 = arith.addi %mul3A_98, %add3A_272 : i32
          %swap3A_274 = arith.index_cast %add3A_273 : i32 to index
          %swap3A_275 = arith.constant 48 : index
          %swap3A_276 = tpu.vector_load %arg10[%swap3A_274, %swap3A_275] {strides = array<i32>} : memref<128x128xf32, #tpu.memory_space<vmem>>, vector<16xf32>,
          tpu.vector_store %arg10[%swap3A_274, %swap3A_275], %mul3A_271 {strides = array<i32>} : memref<128x128xf32, #tpu.memory_space<vmem>>, vector<16xf32>,
          %add3A_277 = arith.constant 3 : i32
          %add3A_278 = arith.addi %mul3A_98, %add3A_277 : i32
          %get3A_279 = arith.index_cast %add3A_278 : i32 to index
          %get3A_280 = arith.constant 48 : index
          %get3A_281 = tpu.vector_load %arg10[%get3A_279, %get3A_280] {strides = array<i32>} : memref<128x128xf32, #tpu.memory_space<vmem>>, vector<16xf32>,
          %mul3A_282 = arith.mulf %get3A_281, %gather3A_113 : vector<16xf32>
          %add3A_283 = arith.constant 3 : i32
          %add3A_284 = arith.addi %mul3A_98, %add3A_283 : i32
          %swap3A_285 = arith.index_cast %add3A_284 : i32 to index
          %swap3A_286 = arith.constant 48 : index
          %swap3A_287 = tpu.vector_load %arg10[%swap3A_285, %swap3A_286] {strides = array<i32>} : memref<128x128xf32, #tpu.memory_space<vmem>>, vector<16xf32>,
          tpu.vector_store %arg10[%swap3A_285, %swap3A_286], %mul3A_282 {strides = array<i32>} : memref<128x128xf32, #tpu.memory_space<vmem>>, vector<16xf32>,
          %add3A_288 = arith.constant 0 : i32
          %add3A_289 = arith.addi %mul3A_98, %add3A_288 : i32
          %get3A_290 = arith.index_cast %add3A_289 : i32 to index
          %get3A_291 = arith.constant 64 : index
          %get3A_292 = tpu.vector_load %arg10[%get3A_290, %get3A_291] {strides = array<i32>} : memref<128x128xf32, #tpu.memory_space<vmem>>, vector<16xf32>,
          %mul3A_293 = arith.mulf %get3A_292, %gather3A : vector<16xf32>
          %add3A_294 = arith.constant 0 : i32
          %add3A_295 = arith.addi %mul3A_98, %add3A_294 : i32
          %swap3A_296 = arith.index_cast %add3A_295 : i32 to index
          %swap3A_297 = arith.constant 64 : index
          %swap3A_298 = tpu.vector_load %arg10[%swap3A_296, %swap3A_297] {strides = array<i32>} : memref<128x128xf32, #tpu.memory_space<vmem>>, vector<16xf32>,
          tpu.vector_store %arg10[%swap3A_296, %swap3A_297], %mul3A_293 {strides = array<i32>} : memref<128x128xf32, #tpu.memory_space<vmem>>, vector<16xf32>,
          %add3A_299 = arith.constant 1 : i32
          %add3A_300 = arith.addi %mul3A_98, %add3A_299 : i32
          %get3A_301 = arith.index_cast %add3A_300 : i32 to index
          %get3A_302 = arith.constant 64 : index
          %get3A_303 = tpu.vector_load %arg10[%get3A_301, %get3A_302] {strides = array<i32>} : memref<128x128xf32, #tpu.memory_space<vmem>>, vector<16xf32>,
          %mul3A_304 = arith.mulf %get3A_303, %gather3A_105 : vector<16xf32>
          %add3A_305 = arith.constant 1 : i32
          %add3A_306 = arith.addi %mul3A_98, %add3A_305 : i32
          %swap3A_307 = arith.index_cast %add3A_306 : i32 to index
          %swap3A_308 = arith.constant 64 : index
          %swap3A_309 = tpu.vector_load %arg10[%swap3A_307, %swap3A_308] {strides = array<i32>} : memref<128x128xf32, #tpu.memory_space<vmem>>, vector<16xf32>,
          tpu.vector_store %arg10[%swap3A_307, %swap3A_308], %mul3A_304 {strides = array<i32>} : memref<128x128xf32, #tpu.memory_space<vmem>>, vector<16xf32>,
          %add3A_310 = arith.constant 2 : i32
          %add3A_311 = arith.addi %mul3A_98, %add3A_310 : i32
          %get3A_312 = arith.index_cast %add3A_311 : i32 to index
          %get3A_313 = arith.constant 64 : index
          %get3A_314 = tpu.vector_load %arg10[%get3A_312, %get3A_313] {strides = array<i32>} : memref<128x128xf32, #tpu.memory_space<vmem>>, vector<16xf32>,
          %mul3A_315 = arith.mulf %get3A_314, %gather3A_109 : vector<16xf32>
          %add3A_316 = arith.constant 2 : i32
          %add3A_317 = arith.addi %mul3A_98, %add3A_316 : i32
          %swap3A_318 = arith.index_cast %add3A_317 : i32 to index
          %swap3A_319 = arith.constant 64 : index
          %swap3A_320 = tpu.vector_load %arg10[%swap3A_318, %swap3A_319] {strides = array<i32>} : memref<128x128xf32, #tpu.memory_space<vmem>>, vector<16xf32>,
          tpu.vector_store %arg10[%swap3A_318, %swap3A_319], %mul3A_315 {strides = array<i32>} : memref<128x128xf32, #tpu.memory_space<vmem>>, vector<16xf32>,
          %add3A_321 = arith.constant 3 : i32
          %add3A_322 = arith.addi %mul3A_98, %add3A_321 : i32
          %get3A_323 = arith.index_cast %add3A_322 : i32 to index
          %get3A_324 = arith.constant 64 : index
          %get3A_325 = tpu.vector_load %arg10[%get3A_323, %get3A_324] {strides = array<i32>} : memref<128x128xf32, #tpu.memory_space<vmem>>, vector<16xf32>,
          %mul3A_326 = arith.mulf %get3A_325, %gather3A_113 : vector<16xf32>
          %add3A_327 = arith.constant 3 : i32
          %add3A_328 = arith.addi %mul3A_98, %add3A_327 : i32
          %swap3A_329 = arith.index_cast %add3A_328 : i32 to index
          %swap3A_330 = arith.constant 64 : index
          %swap3A_331 = tpu.vector_load %arg10[%swap3A_329, %swap3A_330] {strides = array<i32>} : memref<128x128xf32, #tpu.memory_space<vmem>>, vector<16xf32>,
          tpu.vector_store %arg10[%swap3A_329, %swap3A_330], %mul3A_326 {strides = array<i32>} : memref<128x128xf32, #tpu.memory_space<vmem>>, vector<16xf32>,
          %add3A_332 = arith.constant 0 : i32
          %add3A_333 = arith.addi %mul3A_98, %add3A_332 : i32
          %get3A_334 = arith.index_cast %add3A_333 : i32 to index
          %get3A_335 = arith.constant 80 : index
          %get3A_336 = tpu.vector_load %arg10[%get3A_334, %get3A_335] {strides = array<i32>} : memref<128x128xf32, #tpu.memory_space<vmem>>, vector<16xf32>,
          %mul3A_337 = arith.mulf %get3A_336, %gather3A : vector<16xf32>
          %add3A_338 = arith.constant 0 : i32
          %add3A_339 = arith.addi %mul3A_98, %add3A_338 : i32
          %swap3A_340 = arith.index_cast %add3A_339 : i32 to index
          %swap3A_341 = arith.constant 80 : index
          %swap3A_342 = tpu.vector_load %arg10[%swap3A_340, %swap3A_341] {strides = array<i32>} : memref<128x128xf32, #tpu.memory_space<vmem>>, vector<16xf32>,
          tpu.vector_store %arg10[%swap3A_340, %swap3A_341], %mul3A_337 {strides = array<i32>} : memref<128x128xf32, #tpu.memory_space<vmem>>, vector<16xf32>,
          %add3A_343 = arith.constant 1 : i32
          %add3A_344 = arith.addi %mul3A_98, %add3A_343 : i32
          %get3A_345 = arith.index_cast %add3A_344 : i32 to index
          %get3A_346 = arith.constant 80 : index
          %get3A_347 = tpu.vector_load %arg10[%get3A_345, %get3A_346] {strides = array<i32>} : memref<128x128xf32, #tpu.memory_space<vmem>>, vector<16xf32>,
          %mul3A_348 = arith.mulf %get3A_347, %gather3A_105 : vector<16xf32>
          %add3A_349 = arith.constant 1 : i32
          %add3A_350 = arith.addi %mul3A_98, %add3A_349 : i32
          %swap3A_351 = arith.index_cast %add3A_350 : i32 to index
          %swap3A_352 = arith.constant 80 : index
          %swap3A_353 = tpu.vector_load %arg10[%swap3A_351, %swap3A_352] {strides = array<i32>} : memref<128x128xf32, #tpu.memory_space<vmem>>, vector<16xf32>,
          tpu.vector_store %arg10[%swap3A_351, %swap3A_352], %mul3A_348 {strides = array<i32>} : memref<128x128xf32, #tpu.memory_space<vmem>>, vector<16xf32>,
          %add3A_354 = arith.constant 2 : i32
          %add3A_355 = arith.addi %mul3A_98, %add3A_354 : i32
          %get3A_356 = arith.index_cast %add3A_355 : i32 to index
          %get3A_357 = arith.constant 80 : index
          %get3A_358 = tpu.vector_load %arg10[%get3A_356, %get3A_357] {strides = array<i32>} : memref<128x128xf32, #tpu.memory_space<vmem>>, vector<16xf32>,
          %mul3A_359 = arith.mulf %get3A_358, %gather3A_109 : vector<16xf32>
          %add3A_360 = arith.constant 2 : i32
          %add3A_361 = arith.addi %mul3A_98, %add3A_360 : i32
          %swap3A_362 = arith.index_cast %add3A_361 : i32 to index
          %swap3A_363 = arith.constant 80 : index
          %swap3A_364 = tpu.vector_load %arg10[%swap3A_362, %swap3A_363] {strides = array<i32>} : memref<128x128xf32, #tpu.memory_space<vmem>>, vector<16xf32>,
          tpu.vector_store %arg10[%swap3A_362, %swap3A_363], %mul3A_359 {strides = array<i32>} : memref<128x128xf32, #tpu.memory_space<vmem>>, vector<16xf32>,
          %add3A_365 = arith.constant 3 : i32
          %add3A_366 = arith.addi %mul3A_98, %add3A_365 : i32
          %get3A_367 = arith.index_cast %add3A_366 : i32 to index
          %get3A_368 = arith.constant 80 : index
          %get3A_369 = tpu.vector_load %arg10[%get3A_367, %get3A_368] {strides = array<i32>} : memref<128x128xf32, #tpu.memory_space<vmem>>, vector<16xf32>,
          %mul3A_370 = arith.mulf %get3A_369, %gather3A_113 : vector<16xf32>
          %add3A_371 = arith.constant 3 : i32
          %add3A_372 = arith.addi %mul3A_98, %add3A_371 : i32
          %swap3A_373 = arith.index_cast %add3A_372 : i32 to index
          %swap3A_374 = arith.constant 80 : index
          %swap3A_375 = tpu.vector_load %arg10[%swap3A_373, %swap3A_374] {strides = array<i32>} : memref<128x128xf32, #tpu.memory_space<vmem>>, vector<16xf32>,
          tpu.vector_store %arg10[%swap3A_373, %swap3A_374], %mul3A_370 {strides = array<i32>} : memref<128x128xf32, #tpu.memory_space<vmem>>, vector<16xf32>,
          %add3A_376 = arith.constant 0 : i32
          %add3A_377 = arith.addi %mul3A_98, %add3A_376 : i32
          %get3A_378 = arith.index_cast %add3A_377 : i32 to index
          %get3A_379 = arith.constant 96 : index
          %get3A_380 = tpu.vector_load %arg10[%get3A_378, %get3A_379] {strides = array<i32>} : memref<128x128xf32, #tpu.memory_space<vmem>>, vector<16xf32>,
          %mul3A_381 = arith.mulf %get3A_380, %gather3A : vector<16xf32>
          %add3A_382 = arith.constant 0 : i32
          %add3A_383 = arith.addi %mul3A_98, %add3A_382 : i32
          %swap3A_384 = arith.index_cast %add3A_383 : i32 to index
          %swap3A_385 = arith.constant 96 : index
          %swap3A_386 = tpu.vector_load %arg10[%swap3A_384, %swap3A_385] {strides = array<i32>} : memref<128x128xf32, #tpu.memory_space<vmem>>, vector<16xf32>,
          tpu.vector_store %arg10[%swap3A_384, %swap3A_385], %mul3A_381 {strides = array<i32>} : memref<128x128xf32, #tpu.memory_space<vmem>>, vector<16xf32>,
          %add3A_387 = arith.constant 1 : i32
          %add3A_388 = arith.addi %mul3A_98, %add3A_387 : i32
          %get3A_389 = arith.index_cast %add3A_388 : i32 to index
          %get3A_390 = arith.constant 96 : index
          %get3A_391 = tpu.vector_load %arg10[%get3A_389, %get3A_390] {strides = array<i32>} : memref<128x128xf32, #tpu.memory_space<vmem>>, vector<16xf32>,
          %mul3A_392 = arith.mulf %get3A_391, %gather3A_105 : vector<16xf32>
          %add3A_393 = arith.constant 1 : i32
          %add3A_394 = arith.addi %mul3A_98, %add3A_393 : i32
          %swap3A_395 = arith.index_cast %add3A_394 : i32 to index
          %swap3A_396 = arith.constant 96 : index
          %swap3A_397 = tpu.vector_load %arg10[%swap3A_395, %swap3A_396] {strides = array<i32>} : memref<128x128xf32, #tpu.memory_space<vmem>>, vector<16xf32>,
          tpu.vector_store %arg10[%swap3A_395, %swap3A_396], %mul3A_392 {strides = array<i32>} : memref<128x128xf32, #tpu.memory_space<vmem>>, vector<16xf32>,
          %add3A_398 = arith.constant 2 : i32
          %add3A_399 = arith.addi %mul3A_98, %add3A_398 : i32
          %get3A_400 = arith.index_cast %add3A_399 : i32 to index
          %get3A_401 = arith.constant 96 : index
          %get3A_402 = tpu.vector_load %arg10[%get3A_400, %get3A_401] {strides = array<i32>} : memref<128x128xf32, #tpu.memory_space<vmem>>, vector<16xf32>,
          %mul3A_403 = arith.mulf %get3A_402, %gather3A_109 : vector<16xf32>
          %add3A_404 = arith.constant 2 : i32
          %add3A_405 = arith.addi %mul3A_98, %add3A_404 : i32
          %swap3A_406 = arith.index_cast %add3A_405 : i32 to index
          %swap3A_407 = arith.constant 96 : index
          %swap3A_408 = tpu.vector_load %arg10[%swap3A_406, %swap3A_407] {strides = array<i32>} : memref<128x128xf32, #tpu.memory_space<vmem>>, vector<16xf32>,
          tpu.vector_store %arg10[%swap3A_406, %swap3A_407], %mul3A_403 {strides = array<i32>} : memref<128x128xf32, #tpu.memory_space<vmem>>, vector<16xf32>,
          %add3A_409 = arith.constant 3 : i32
          %add3A_410 = arith.addi %mul3A_98, %add3A_409 : i32
          %get3A_411 = arith.index_cast %add3A_410 : i32 to index
          %get3A_412 = arith.constant 96 : index
          %get3A_413 = tpu.vector_load %arg10[%get3A_411, %get3A_412] {strides = array<i32>} : memref<128x128xf32, #tpu.memory_space<vmem>>, vector<16xf32>,
          %mul3A_414 = arith.mulf %get3A_413, %gather3A_113 : vector<16xf32>
          %add3A_415 = arith.constant 3 : i32
          %add3A_416 = arith.addi %mul3A_98, %add3A_415 : i32
          %swap3A_417 = arith.index_cast %add3A_416 : i32 to index
          %swap3A_418 = arith.constant 96 : index
          %swap3A_419 = tpu.vector_load %arg10[%swap3A_417, %swap3A_418] {strides = array<i32>} : memref<128x128xf32, #tpu.memory_space<vmem>>, vector<16xf32>,
          tpu.vector_store %arg10[%swap3A_417, %swap3A_418], %mul3A_414 {strides = array<i32>} : memref<128x128xf32, #tpu.memory_space<vmem>>, vector<16xf32>,
          %add3A_420 = arith.constant 0 : i32
          %add3A_421 = arith.addi %mul3A_98, %add3A_420 : i32
          %get3A_422 = arith.index_cast %add3A_421 : i32 to index
          %get3A_423 = arith.constant 112 : index
          %get3A_424 = tpu.vector_load %arg10[%get3A_422, %get3A_423] {strides = array<i32>} : memref<128x128xf32, #tpu.memory_space<vmem>>, vector<16xf32>,
          %mul3A_425 = arith.mulf %get3A_424, %gather3A : vector<16xf32>
          %add3A_426 = arith.constant 0 : i32
          %add3A_427 = arith.addi %mul3A_98, %add3A_426 : i32
          %swap3A_428 = arith.index_cast %add3A_427 : i32 to index
          %swap3A_429 = arith.constant 112 : index
          %swap3A_430 = tpu.vector_load %arg10[%swap3A_428, %swap3A_429] {strides = array<i32>} : memref<128x128xf32, #tpu.memory_space<vmem>>, vector<16xf32>,
          tpu.vector_store %arg10[%swap3A_428, %swap3A_429], %mul3A_425 {strides = array<i32>} : memref<128x128xf32, #tpu.memory_space<vmem>>, vector<16xf32>,
          %add3A_431 = arith.constant 1 : i32
          %add3A_432 = arith.addi %mul3A_98, %add3A_431 : i32
          %get3A_433 = arith.index_cast %add3A_432 : i32 to index
          %get3A_434 = arith.constant 112 : index
          %get3A_435 = tpu.vector_load %arg10[%get3A_433, %get3A_434] {strides = array<i32>} : memref<128x128xf32, #tpu.memory_space<vmem>>, vector<16xf32>,
          %mul3A_436 = arith.mulf %get3A_435, %gather3A_105 : vector<16xf32>
          %add3A_437 = arith.constant 1 : i32
          %add3A_438 = arith.addi %mul3A_98, %add3A_437 : i32
          %swap3A_439 = arith.index_cast %add3A_438 : i32 to index
          %swap3A_440 = arith.constant 112 : index
          %swap3A_441 = tpu.vector_load %arg10[%swap3A_439, %swap3A_440] {strides = array<i32>} : memref<128x128xf32, #tpu.memory_space<vmem>>, vector<16xf32>,
          tpu.vector_store %arg10[%swap3A_439, %swap3A_440], %mul3A_436 {strides = array<i32>} : memref<128x128xf32, #tpu.memory_space<vmem>>, vector<16xf32>,
          %add3A_442 = arith.constant 2 : i32
          %add3A_443 = arith.addi %mul3A_98, %add3A_442 : i32
          %get3A_444 = arith.index_cast %add3A_443 : i32 to index
          %get3A_445 = arith.constant 112 : index
          %get3A_446 = tpu.vector_load %arg10[%get3A_444, %get3A_445] {strides = array<i32>} : memref<128x128xf32, #tpu.memory_space<vmem>>, vector<16xf32>,
          %mul3A_447 = arith.mulf %get3A_446, %gather3A_109 : vector<16xf32>
          %add3A_448 = arith.constant 2 : i32
          %add3A_449 = arith.addi %mul3A_98, %add3A_448 : i32
          %swap3A_450 = arith.index_cast %add3A_449 : i32 to index
          %swap3A_451 = arith.constant 112 : index
          %swap3A_452 = tpu.vector_load %arg10[%swap3A_450, %swap3A_451] {strides = array<i32>} : memref<128x128xf32, #tpu.memory_space<vmem>>, vector<16xf32>,
          tpu.vector_store %arg10[%swap3A_450, %swap3A_451], %mul3A_447 {strides = array<i32>} : memref<128x128xf32, #tpu.memory_space<vmem>>, vector<16xf32>,
          %add3A_453 = arith.constant 3 : i32
          %add3A_454 = arith.addi %mul3A_98, %add3A_453 : i32
          %get3A_455 = arith.index_cast %add3A_454 : i32 to index
          %get3A_456 = arith.constant 112 : index
          %get3A_457 = tpu.vector_load %arg10[%get3A_455, %get3A_456] {strides = array<i32>} : memref<128x128xf32, #tpu.memory_space<vmem>>, vector<16xf32>,
          %mul3A_458 = arith.mulf %get3A_457, %gather3A_113 : vector<16xf32>
          %add3A_459 = arith.constant 3 : i32
          %add3A_460 = arith.addi %mul3A_98, %add3A_459 : i32
          %swap3A_461 = arith.index_cast %add3A_460 : i32 to index
          %swap3A_462 = arith.constant 112 : index
          %swap3A_463 = tpu.vector_load %arg10[%swap3A_461, %swap3A_462] {strides = array<i32>} : memref<128x128xf32, #tpu.memory_space<vmem>>, vector<16xf32>,
          tpu.vector_store %arg10[%swap3A_461, %swap3A_462], %mul3A_458 {strides = array<i32>} : memref<128x128xf32, #tpu.memory_space<vmem>>, vector<16xf32>,
          %scan3A_464 = arith.constant 0 : i32
          scf.yield %scan3A_464 : i32
        }
        %scan3A_77 = arith.constant 32 : i32
        "tpu.region"() ({
          %run_scoped3A = tpu.sem_alloc : memref<!tpu.dma_semaphore, #tpu.memory_space<semaphore_mem>>
          %dma_start3A_95 = arith.constant 0 : i32
          %dma_start3A_96 = tpu.memref_slice %arg8[%mul3A_54, %dma_start3A_95] : memref<40x128xi32, #tpu.memory_space<vmem>> -> memref<1x128xi32, #tpu.memory_space<vmem>>
          %dma_start3A_97 = tpu.memref_squeeze %dma_start3A_96 : memref<1x128xi32, #tpu.memory_space<vmem>> -> memref<128xi32, #tpu.memory_space<vmem>>
          %dma_start3A_98 = arith.constant 0 : i32
          %dma_start3A_99 = arith.constant 0 : i32
          %dma_start3A_100 = tpu.memref_slice %arg12[%dma_start3A_98, %dma_start3A_99] : memref<10000x128xf32, #tpu.memory_space<vmem_shared>> -> memref<10000x128xf32, #tpu.memory_space<vmem_shared>>
          tpu.enqueue_indirect_dma source(%arg10 : memref<128x128xf32, #tpu.memory_space<vmem>>) target(%dma_start3A_100 : memref<10000x128xf32, #tpu.memory_space<vmem_shared>>) offsets(%dma_start3A_97 : memref<128xi32, #tpu.memory_space<vmem>>) semaphore(%run_scoped3A : memref<!tpu.dma_semaphore, #tpu.memory_space<semaphore_mem>>) {add = true}
          %dma_wait3A_101 = arith.constant 0 : i32
          %dma_wait3A_102 = tpu.memref_slice %arg8[%mul3A_54, %dma_wait3A_101] : memref<40x128xi32, #tpu.memory_space<vmem>> -> memref<1x128xi32, #tpu.memory_space<vmem>>
          %dma_wait3A_103 = tpu.memref_squeeze %dma_wait3A_102 : memref<1x128xi32, #tpu.memory_space<vmem>> -> memref<128xi32, #tpu.memory_space<vmem>>
          %dma_wait3A_104 = arith.constant 0 : i32
          %dma_wait3A_105 = arith.constant 0 : i32
          %dma_wait3A_106 = tpu.memref_slice %arg12[%dma_wait3A_104, %dma_wait3A_105] : memref<10000x128xf32, #tpu.memory_space<vmem_shared>> -> memref<10000x128xf32, #tpu.memory_space<vmem_shared>>
          tpu.wait_indirect_dma semaphore(%run_scoped3A : memref<!tpu.dma_semaphore, #tpu.memory_space<semaphore_mem>>) src(%arg10 : memref<128x128xf32, #tpu.memory_space<vmem>>) dst(%dma_wait3A_106 : memref<10000x128xf32, #tpu.memory_space<vmem_shared>>)
          tpu.yield
        }) : () -> ()
        %lt3A = arith.constant 19 : i32
        %lt3A_78 = arith.cmpi slt, %scan3A_51, %lt3A : i32
        %convert_element_type3A = arith.extui %lt3A_78 : i1 to i32
        %cond3A = arith.constant 0 : i32
        %cond3A_79 = arith.cmpi ne, %convert_element_type3A, %cond3A : i32
        scf.if %cond3A_79 {
          %add3A_95 = arith.constant 2 : i32
          %add3A_96 = arith.addi %mul3A_54, %add3A_95 : i32
          %dma_start3A_97 = arith.constant 0 : i32
          %dma_start3A_98 = tpu.memref_slice %arg7[%add3A_96, %dma_start3A_97] : memref<40x128xi32, #tpu.memory_space<vmem>> -> memref<1x128xi32, #tpu.memory_space<vmem>>
          %dma_start3A_99 = tpu.memref_squeeze %dma_start3A_98 : memref<1x128xi32, #tpu.memory_space<vmem>> -> memref<128xi32, #tpu.memory_space<vmem>>
          %dma_start3A_100 = arith.constant 0 : i32
          %dma_start3A_101 = arith.constant 0 : i32
          %dma_start3A_102 = tpu.memref_slice %arg2[%dma_start3A_100, %dma_start3A_101] : memref<10000x128xf32, #tpu.memory_space<hbm>> -> memref<10000x128xf32, #tpu.memory_space<hbm>>
          tpu.enqueue_indirect_dma source(%dma_start3A_102 : memref<10000x128xf32, #tpu.memory_space<hbm>>) target(%arg10 : memref<128x128xf32, #tpu.memory_space<vmem>>) offsets(%dma_start3A_99 : memref<128xi32, #tpu.memory_space<vmem>>) semaphore(%arg13 : memref<!tpu.dma_semaphore, #tpu.memory_space<semaphore_mem>>)
        } else {
        }
        %dma_wait3A_80 = arith.constant 0 : i32
        %dma_wait3A_81 = tpu.memref_slice %arg7[%add3A_58, %dma_wait3A_80] : memref<40x128xi32, #tpu.memory_space<vmem>> -> memref<1x128xi32, #tpu.memory_space<vmem>>
        %dma_wait3A_82 = tpu.memref_squeeze %dma_wait3A_81 : memref<1x128xi32, #tpu.memory_space<vmem>> -> memref<128xi32, #tpu.memory_space<vmem>>
        %dma_wait3A_83 = arith.constant 0 : i32
        %dma_wait3A_84 = arith.constant 0 : i32
        %dma_wait3A_85 = tpu.memref_slice %arg2[%dma_wait3A_83, %dma_wait3A_84] : memref<10000x128xf32, #tpu.memory_space<hbm>> -> memref<10000x128xf32, #tpu.memory_space<hbm>>
        tpu.wait_indirect_dma semaphore(%arg14 : memref<!tpu.dma_semaphore, #tpu.memory_space<semaphore_mem>>) src(%dma_wait3A_85 : memref<10000x128xf32, #tpu.memory_space<hbm>>) dst(%arg11 : memref<128x128xf32, #tpu.memory_space<vmem>>)
        %broadcast_in_dim3A_86 = vector.broadcast %add3A_58 : i32 to vector<16xi32>
        %scan3A_87 = arith.constant 0 : i32
        %scan3A_88 = arith.constant 0 : i32
        %scan3A_89 = arith.constant 32 : i32
        %scan3A_90 = arith.addi %scan3A_88, %scan3A_89 : i32
        %scan3A_91 = arith.constant 1 : i32
        %scan3A_92 = scf.for %scan3A_95 = %scan3A_88 to %scan3A_90 step %scan3A_91 iter_args(%scan3A_96 = %scan3A_87) -> (i32)  : i32 {
          %mul3A_97 = arith.constant 4 : i32
          %mul3A_98 = arith.muli %scan3A_95, %mul3A_97 : i32
          %add3A_99 = arith.constant 0 : i32
          %add3A_100 = arith.addi %mul3A_98, %add3A_99 : i32
          %broadcast_in_dim3A_101 = vector.broadcast %add3A_100 : i32 to vector<16xi32>
          %gather3A = tpu.vector_load_idx %arg9[%broadcast_in_dim3A_86, %broadcast_in_dim3A_101] : memref<40x128xf32, #tpu.memory_space<vmem>>[vector<16xi32>, vector<16xi32>], vector<16xf32>,
          %add3A_102 = arith.constant 1 : i32
          %add3A_103 = arith.addi %mul3A_98, %add3A_102 : i32
          %broadcast_in_dim3A_104 = vector.broadcast %add3A_103 : i32 to vector<16xi32>
          %gather3A_105 = tpu.vector_load_idx %arg9[%broadcast_in_dim3A_86, %broadcast_in_dim3A_104] : memref<40x128xf32, #tpu.memory_space<vmem>>[vector<16xi32>, vector<16xi32>], vector<16xf32>,
          %add3A_106 = arith.constant 2 : i32
          %add3A_107 = arith.addi %mul3A_98, %add3A_106 : i32
          %broadcast_in_dim3A_108 = vector.broadcast %add3A_107 : i32 to vector<16xi32>
          %gather3A_109 = tpu.vector_load_idx %arg9[%broadcast_in_dim3A_86, %broadcast_in_dim3A_108] : memref<40x128xf32, #tpu.memory_space<vmem>>[vector<16xi32>, vector<16xi32>], vector<16xf32>,
          %add3A_110 = arith.constant 3 : i32
          %add3A_111 = arith.addi %mul3A_98, %add3A_110 : i32
          %broadcast_in_dim3A_112 = vector.broadcast %add3A_111 : i32 to vector<16xi32>
          %gather3A_113 = tpu.vector_load_idx %arg9[%broadcast_in_dim3A_86, %broadcast_in_dim3A_112] : memref<40x128xf32, #tpu.memory_space<vmem>>[vector<16xi32>, vector<16xi32>], vector<16xf32>,
          %add3A_114 = arith.constant 0 : i32
          %add3A_115 = arith.addi %mul3A_98, %add3A_114 : i32
          %get3A = arith.index_cast %add3A_115 : i32 to index
          %get3A_116 = arith.constant 0 : index
          %get3A_117 = tpu.vector_load %arg11[%get3A, %get3A_116] {strides = array<i32>} : memref<128x128xf32, #tpu.memory_space<vmem>>, vector<16xf32>,
          %mul3A_118 = arith.mulf %get3A_117, %gather3A : vector<16xf32>
          %add3A_119 = arith.constant 0 : i32
          %add3A_120 = arith.addi %mul3A_98, %add3A_119 : i32
          %swap3A = arith.index_cast %add3A_120 : i32 to index
          %swap3A_121 = arith.constant 0 : index
          %swap3A_122 = tpu.vector_load %arg11[%swap3A, %swap3A_121] {strides = array<i32>} : memref<128x128xf32, #tpu.memory_space<vmem>>, vector<16xf32>,
          tpu.vector_store %arg11[%swap3A, %swap3A_121], %mul3A_118 {strides = array<i32>} : memref<128x128xf32, #tpu.memory_space<vmem>>, vector<16xf32>,
          %add3A_123 = arith.constant 1 : i32
          %add3A_124 = arith.addi %mul3A_98, %add3A_123 : i32
          %get3A_125 = arith.index_cast %add3A_124 : i32 to index
          %get3A_126 = arith.constant 0 : index
          %get3A_127 = tpu.vector_load %arg11[%get3A_125, %get3A_126] {strides = array<i32>} : memref<128x128xf32, #tpu.memory_space<vmem>>, vector<16xf32>,
          %mul3A_128 = arith.mulf %get3A_127, %gather3A_105 : vector<16xf32>
          %add3A_129 = arith.constant 1 : i32
          %add3A_130 = arith.addi %mul3A_98, %add3A_129 : i32
          %swap3A_131 = arith.index_cast %add3A_130 : i32 to index
          %swap3A_132 = arith.constant 0 : index
          %swap3A_133 = tpu.vector_load %arg11[%swap3A_131, %swap3A_132] {strides = array<i32>} : memref<128x128xf32, #tpu.memory_space<vmem>>, vector<16xf32>,
          tpu.vector_store %arg11[%swap3A_131, %swap3A_132], %mul3A_128 {strides = array<i32>} : memref<128x128xf32, #tpu.memory_space<vmem>>, vector<16xf32>,
          %add3A_134 = arith.constant 2 : i32
          %add3A_135 = arith.addi %mul3A_98, %add3A_134 : i32
          %get3A_136 = arith.index_cast %add3A_135 : i32 to index
          %get3A_137 = arith.constant 0 : index
          %get3A_138 = tpu.vector_load %arg11[%get3A_136, %get3A_137] {strides = array<i32>} : memref<128x128xf32, #tpu.memory_space<vmem>>, vector<16xf32>,
          %mul3A_139 = arith.mulf %get3A_138, %gather3A_109 : vector<16xf32>
          %add3A_140 = arith.constant 2 : i32
          %add3A_141 = arith.addi %mul3A_98, %add3A_140 : i32
          %swap3A_142 = arith.index_cast %add3A_141 : i32 to index
          %swap3A_143 = arith.constant 0 : index
          %swap3A_144 = tpu.vector_load %arg11[%swap3A_142, %swap3A_143] {strides = array<i32>} : memref<128x128xf32, #tpu.memory_space<vmem>>, vector<16xf32>,
          tpu.vector_store %arg11[%swap3A_142, %swap3A_143], %mul3A_139 {strides = array<i32>} : memref<128x128xf32, #tpu.memory_space<vmem>>, vector<16xf32>,
          %add3A_145 = arith.constant 3 : i32
          %add3A_146 = arith.addi %mul3A_98, %add3A_145 : i32
          %get3A_147 = arith.index_cast %add3A_146 : i32 to index
          %get3A_148 = arith.constant 0 : index
          %get3A_149 = tpu.vector_load %arg11[%get3A_147, %get3A_148] {strides = array<i32>} : memref<128x128xf32, #tpu.memory_space<vmem>>, vector<16xf32>,
          %mul3A_150 = arith.mulf %get3A_149, %gather3A_113 : vector<16xf32>
          %add3A_151 = arith.constant 3 : i32
          %add3A_152 = arith.addi %mul3A_98, %add3A_151 : i32
          %swap3A_153 = arith.index_cast %add3A_152 : i32 to index
          %swap3A_154 = arith.constant 0 : index
          %swap3A_155 = tpu.vector_load %arg11[%swap3A_153, %swap3A_154] {strides = array<i32>} : memref<128x128xf32, #tpu.memory_space<vmem>>, vector<16xf32>,
          tpu.vector_store %arg11[%swap3A_153, %swap3A_154], %mul3A_150 {strides = array<i32>} : memref<128x128xf32, #tpu.memory_space<vmem>>, vector<16xf32>,
          %add3A_156 = arith.constant 0 : i32
          %add3A_157 = arith.addi %mul3A_98, %add3A_156 : i32
          %get3A_158 = arith.index_cast %add3A_157 : i32 to index
          %get3A_159 = arith.constant 16 : index
          %get3A_160 = tpu.vector_load %arg11[%get3A_158, %get3A_159] {strides = array<i32>} : memref<128x128xf32, #tpu.memory_space<vmem>>, vector<16xf32>,
          %mul3A_161 = arith.mulf %get3A_160, %gather3A : vector<16xf32>
          %add3A_162 = arith.constant 0 : i32
          %add3A_163 = arith.addi %mul3A_98, %add3A_162 : i32
          %swap3A_164 = arith.index_cast %add3A_163 : i32 to index
          %swap3A_165 = arith.constant 16 : index
          %swap3A_166 = tpu.vector_load %arg11[%swap3A_164, %swap3A_165] {strides = array<i32>} : memref<128x128xf32, #tpu.memory_space<vmem>>, vector<16xf32>,
          tpu.vector_store %arg11[%swap3A_164, %swap3A_165], %mul3A_161 {strides = array<i32>} : memref<128x128xf32, #tpu.memory_space<vmem>>, vector<16xf32>,
          %add3A_167 = arith.constant 1 : i32
          %add3A_168 = arith.addi %mul3A_98, %add3A_167 : i32
          %get3A_169 = arith.index_cast %add3A_168 : i32 to index
          %get3A_170 = arith.constant 16 : index
          %get3A_171 = tpu.vector_load %arg11[%get3A_169, %get3A_170] {strides = array<i32>} : memref<128x128xf32, #tpu.memory_space<vmem>>, vector<16xf32>,
          %mul3A_172 = arith.mulf %get3A_171, %gather3A_105 : vector<16xf32>
          %add3A_173 = arith.constant 1 : i32
          %add3A_174 = arith.addi %mul3A_98, %add3A_173 : i32
          %swap3A_175 = arith.index_cast %add3A_174 : i32 to index
          %swap3A_176 = arith.constant 16 : index
          %swap3A_177 = tpu.vector_load %arg11[%swap3A_175, %swap3A_176] {strides = array<i32>} : memref<128x128xf32, #tpu.memory_space<vmem>>, vector<16xf32>,
          tpu.vector_store %arg11[%swap3A_175, %swap3A_176], %mul3A_172 {strides = array<i32>} : memref<128x128xf32, #tpu.memory_space<vmem>>, vector<16xf32>,
          %add3A_178 = arith.constant 2 : i32
          %add3A_179 = arith.addi %mul3A_98, %add3A_178 : i32
          %get3A_180 = arith.index_cast %add3A_179 : i32 to index
          %get3A_181 = arith.constant 16 : index
          %get3A_182 = tpu.vector_load %arg11[%get3A_180, %get3A_181] {strides = array<i32>} : memref<128x128xf32, #tpu.memory_space<vmem>>, vector<16xf32>,
          %mul3A_183 = arith.mulf %get3A_182, %gather3A_109 : vector<16xf32>
          %add3A_184 = arith.constant 2 : i32
          %add3A_185 = arith.addi %mul3A_98, %add3A_184 : i32
          %swap3A_186 = arith.index_cast %add3A_185 : i32 to index
          %swap3A_187 = arith.constant 16 : index
          %swap3A_188 = tpu.vector_load %arg11[%swap3A_186, %swap3A_187] {strides = array<i32>} : memref<128x128xf32, #tpu.memory_space<vmem>>, vector<16xf32>,
          tpu.vector_store %arg11[%swap3A_186, %swap3A_187], %mul3A_183 {strides = array<i32>} : memref<128x128xf32, #tpu.memory_space<vmem>>, vector<16xf32>,
          %add3A_189 = arith.constant 3 : i32
          %add3A_190 = arith.addi %mul3A_98, %add3A_189 : i32
          %get3A_191 = arith.index_cast %add3A_190 : i32 to index
          %get3A_192 = arith.constant 16 : index
          %get3A_193 = tpu.vector_load %arg11[%get3A_191, %get3A_192] {strides = array<i32>} : memref<128x128xf32, #tpu.memory_space<vmem>>, vector<16xf32>,
          %mul3A_194 = arith.mulf %get3A_193, %gather3A_113 : vector<16xf32>
          %add3A_195 = arith.constant 3 : i32
          %add3A_196 = arith.addi %mul3A_98, %add3A_195 : i32
          %swap3A_197 = arith.index_cast %add3A_196 : i32 to index
          %swap3A_198 = arith.constant 16 : index
          %swap3A_199 = tpu.vector_load %arg11[%swap3A_197, %swap3A_198] {strides = array<i32>} : memref<128x128xf32, #tpu.memory_space<vmem>>, vector<16xf32>,
          tpu.vector_store %arg11[%swap3A_197, %swap3A_198], %mul3A_194 {strides = array<i32>} : memref<128x128xf32, #tpu.memory_space<vmem>>, vector<16xf32>,
          %add3A_200 = arith.constant 0 : i32
          %add3A_201 = arith.addi %mul3A_98, %add3A_200 : i32
          %get3A_202 = arith.index_cast %add3A_201 : i32 to index
          %get3A_203 = arith.constant 32 : index
          %get3A_204 = tpu.vector_load %arg11[%get3A_202, %get3A_203] {strides = array<i32>} : memref<128x128xf32, #tpu.memory_space<vmem>>, vector<16xf32>,
          %mul3A_205 = arith.mulf %get3A_204, %gather3A : vector<16xf32>
          %add3A_206 = arith.constant 0 : i32
          %add3A_207 = arith.addi %mul3A_98, %add3A_206 : i32
          %swap3A_208 = arith.index_cast %add3A_207 : i32 to index
          %swap3A_209 = arith.constant 32 : index
          %swap3A_210 = tpu.vector_load %arg11[%swap3A_208, %swap3A_209] {strides = array<i32>} : memref<128x128xf32, #tpu.memory_space<vmem>>, vector<16xf32>,
          tpu.vector_store %arg11[%swap3A_208, %swap3A_209], %mul3A_205 {strides = array<i32>} : memref<128x128xf32, #tpu.memory_space<vmem>>, vector<16xf32>,
          %add3A_211 = arith.constant 1 : i32
          %add3A_212 = arith.addi %mul3A_98, %add3A_211 : i32
          %get3A_213 = arith.index_cast %add3A_212 : i32 to index
          %get3A_214 = arith.constant 32 : index
          %get3A_215 = tpu.vector_load %arg11[%get3A_213, %get3A_214] {strides = array<i32>} : memref<128x128xf32, #tpu.memory_space<vmem>>, vector<16xf32>,
          %mul3A_216 = arith.mulf %get3A_215, %gather3A_105 : vector<16xf32>
          %add3A_217 = arith.constant 1 : i32
          %add3A_218 = arith.addi %mul3A_98, %add3A_217 : i32
          %swap3A_219 = arith.index_cast %add3A_218 : i32 to index
          %swap3A_220 = arith.constant 32 : index
          %swap3A_221 = tpu.vector_load %arg11[%swap3A_219, %swap3A_220] {strides = array<i32>} : memref<128x128xf32, #tpu.memory_space<vmem>>, vector<16xf32>,
          tpu.vector_store %arg11[%swap3A_219, %swap3A_220], %mul3A_216 {strides = array<i32>} : memref<128x128xf32, #tpu.memory_space<vmem>>, vector<16xf32>,
          %add3A_222 = arith.constant 2 : i32
          %add3A_223 = arith.addi %mul3A_98, %add3A_222 : i32
          %get3A_224 = arith.index_cast %add3A_223 : i32 to index
          %get3A_225 = arith.constant 32 : index
          %get3A_226 = tpu.vector_load %arg11[%get3A_224, %get3A_225] {strides = array<i32>} : memref<128x128xf32, #tpu.memory_space<vmem>>, vector<16xf32>,
          %mul3A_227 = arith.mulf %get3A_226, %gather3A_109 : vector<16xf32>
          %add3A_228 = arith.constant 2 : i32
          %add3A_229 = arith.addi %mul3A_98, %add3A_228 : i32
          %swap3A_230 = arith.index_cast %add3A_229 : i32 to index
          %swap3A_231 = arith.constant 32 : index
          %swap3A_232 = tpu.vector_load %arg11[%swap3A_230, %swap3A_231] {strides = array<i32>} : memref<128x128xf32, #tpu.memory_space<vmem>>, vector<16xf32>,
          tpu.vector_store %arg11[%swap3A_230, %swap3A_231], %mul3A_227 {strides = array<i32>} : memref<128x128xf32, #tpu.memory_space<vmem>>, vector<16xf32>,
          %add3A_233 = arith.constant 3 : i32
          %add3A_234 = arith.addi %mul3A_98, %add3A_233 : i32
          %get3A_235 = arith.index_cast %add3A_234 : i32 to index
          %get3A_236 = arith.constant 32 : index
          %get3A_237 = tpu.vector_load %arg11[%get3A_235, %get3A_236] {strides = array<i32>} : memref<128x128xf32, #tpu.memory_space<vmem>>, vector<16xf32>,
          %mul3A_238 = arith.mulf %get3A_237, %gather3A_113 : vector<16xf32>
          %add3A_239 = arith.constant 3 : i32
          %add3A_240 = arith.addi %mul3A_98, %add3A_239 : i32
          %swap3A_241 = arith.index_cast %add3A_240 : i32 to index
          %swap3A_242 = arith.constant 32 : index
          %swap3A_243 = tpu.vector_load %arg11[%swap3A_241, %swap3A_242] {strides = array<i32>} : memref<128x128xf32, #tpu.memory_space<vmem>>, vector<16xf32>,
          tpu.vector_store %arg11[%swap3A_241, %swap3A_242], %mul3A_238 {strides = array<i32>} : memref<128x128xf32, #tpu.memory_space<vmem>>, vector<16xf32>,
          %add3A_244 = arith.constant 0 : i32
          %add3A_245 = arith.addi %mul3A_98, %add3A_244 : i32
          %get3A_246 = arith.index_cast %add3A_245 : i32 to index
          %get3A_247 = arith.constant 48 : index
          %get3A_248 = tpu.vector_load %arg11[%get3A_246, %get3A_247] {strides = array<i32>} : memref<128x128xf32, #tpu.memory_space<vmem>>, vector<16xf32>,
          %mul3A_249 = arith.mulf %get3A_248, %gather3A : vector<16xf32>
          %add3A_250 = arith.constant 0 : i32
          %add3A_251 = arith.addi %mul3A_98, %add3A_250 : i32
          %swap3A_252 = arith.index_cast %add3A_251 : i32 to index
          %swap3A_253 = arith.constant 48 : index
          %swap3A_254 = tpu.vector_load %arg11[%swap3A_252, %swap3A_253] {strides = array<i32>} : memref<128x128xf32, #tpu.memory_space<vmem>>, vector<16xf32>,
          tpu.vector_store %arg11[%swap3A_252, %swap3A_253], %mul3A_249 {strides = array<i32>} : memref<128x128xf32, #tpu.memory_space<vmem>>, vector<16xf32>,
          %add3A_255 = arith.constant 1 : i32
          %add3A_256 = arith.addi %mul3A_98, %add3A_255 : i32
          %get3A_257 = arith.index_cast %add3A_256 : i32 to index
          %get3A_258 = arith.constant 48 : index
          %get3A_259 = tpu.vector_load %arg11[%get3A_257, %get3A_258] {strides = array<i32>} : memref<128x128xf32, #tpu.memory_space<vmem>>, vector<16xf32>,
          %mul3A_260 = arith.mulf %get3A_259, %gather3A_105 : vector<16xf32>
          %add3A_261 = arith.constant 1 : i32
          %add3A_262 = arith.addi %mul3A_98, %add3A_261 : i32
          %swap3A_263 = arith.index_cast %add3A_262 : i32 to index
          %swap3A_264 = arith.constant 48 : index
          %swap3A_265 = tpu.vector_load %arg11[%swap3A_263, %swap3A_264] {strides = array<i32>} : memref<128x128xf32, #tpu.memory_space<vmem>>, vector<16xf32>,
          tpu.vector_store %arg11[%swap3A_263, %swap3A_264], %mul3A_260 {strides = array<i32>} : memref<128x128xf32, #tpu.memory_space<vmem>>, vector<16xf32>,
          %add3A_266 = arith.constant 2 : i32
          %add3A_267 = arith.addi %mul3A_98, %add3A_266 : i32
          %get3A_268 = arith.index_cast %add3A_267 : i32 to index
          %get3A_269 = arith.constant 48 : index
          %get3A_270 = tpu.vector_load %arg11[%get3A_268, %get3A_269] {strides = array<i32>} : memref<128x128xf32, #tpu.memory_space<vmem>>, vector<16xf32>,
          %mul3A_271 = arith.mulf %get3A_270, %gather3A_109 : vector<16xf32>
          %add3A_272 = arith.constant 2 : i32
          %add3A_273 = arith.addi %mul3A_98, %add3A_272 : i32
          %swap3A_274 = arith.index_cast %add3A_273 : i32 to index
          %swap3A_275 = arith.constant 48 : index
          %swap3A_276 = tpu.vector_load %arg11[%swap3A_274, %swap3A_275] {strides = array<i32>} : memref<128x128xf32, #tpu.memory_space<vmem>>, vector<16xf32>,
          tpu.vector_store %arg11[%swap3A_274, %swap3A_275], %mul3A_271 {strides = array<i32>} : memref<128x128xf32, #tpu.memory_space<vmem>>, vector<16xf32>,
          %add3A_277 = arith.constant 3 : i32
          %add3A_278 = arith.addi %mul3A_98, %add3A_277 : i32
          %get3A_279 = arith.index_cast %add3A_278 : i32 to index
          %get3A_280 = arith.constant 48 : index
          %get3A_281 = tpu.vector_load %arg11[%get3A_279, %get3A_280] {strides = array<i32>} : memref<128x128xf32, #tpu.memory_space<vmem>>, vector<16xf32>,
          %mul3A_282 = arith.mulf %get3A_281, %gather3A_113 : vector<16xf32>
          %add3A_283 = arith.constant 3 : i32
          %add3A_284 = arith.addi %mul3A_98, %add3A_283 : i32
          %swap3A_285 = arith.index_cast %add3A_284 : i32 to index
          %swap3A_286 = arith.constant 48 : index
          %swap3A_287 = tpu.vector_load %arg11[%swap3A_285, %swap3A_286] {strides = array<i32>} : memref<128x128xf32, #tpu.memory_space<vmem>>, vector<16xf32>,
          tpu.vector_store %arg11[%swap3A_285, %swap3A_286], %mul3A_282 {strides = array<i32>} : memref<128x128xf32, #tpu.memory_space<vmem>>, vector<16xf32>,
          %add3A_288 = arith.constant 0 : i32
          %add3A_289 = arith.addi %mul3A_98, %add3A_288 : i32
          %get3A_290 = arith.index_cast %add3A_289 : i32 to index
          %get3A_291 = arith.constant 64 : index
          %get3A_292 = tpu.vector_load %arg11[%get3A_290, %get3A_291] {strides = array<i32>} : memref<128x128xf32, #tpu.memory_space<vmem>>, vector<16xf32>,
          %mul3A_293 = arith.mulf %get3A_292, %gather3A : vector<16xf32>
          %add3A_294 = arith.constant 0 : i32
          %add3A_295 = arith.addi %mul3A_98, %add3A_294 : i32
          %swap3A_296 = arith.index_cast %add3A_295 : i32 to index
          %swap3A_297 = arith.constant 64 : index
          %swap3A_298 = tpu.vector_load %arg11[%swap3A_296, %swap3A_297] {strides = array<i32>} : memref<128x128xf32, #tpu.memory_space<vmem>>, vector<16xf32>,
          tpu.vector_store %arg11[%swap3A_296, %swap3A_297], %mul3A_293 {strides = array<i32>} : memref<128x128xf32, #tpu.memory_space<vmem>>, vector<16xf32>,
          %add3A_299 = arith.constant 1 : i32
          %add3A_300 = arith.addi %mul3A_98, %add3A_299 : i32
          %get3A_301 = arith.index_cast %add3A_300 : i32 to index
          %get3A_302 = arith.constant 64 : index
          %get3A_303 = tpu.vector_load %arg11[%get3A_301, %get3A_302] {strides = array<i32>} : memref<128x128xf32, #tpu.memory_space<vmem>>, vector<16xf32>,
          %mul3A_304 = arith.mulf %get3A_303, %gather3A_105 : vector<16xf32>
          %add3A_305 = arith.constant 1 : i32
          %add3A_306 = arith.addi %mul3A_98, %add3A_305 : i32
          %swap3A_307 = arith.index_cast %add3A_306 : i32 to index
          %swap3A_308 = arith.constant 64 : index
          %swap3A_309 = tpu.vector_load %arg11[%swap3A_307, %swap3A_308] {strides = array<i32>} : memref<128x128xf32, #tpu.memory_space<vmem>>, vector<16xf32>,
          tpu.vector_store %arg11[%swap3A_307, %swap3A_308], %mul3A_304 {strides = array<i32>} : memref<128x128xf32, #tpu.memory_space<vmem>>, vector<16xf32>,
          %add3A_310 = arith.constant 2 : i32
          %add3A_311 = arith.addi %mul3A_98, %add3A_310 : i32
          %get3A_312 = arith.index_cast %add3A_311 : i32 to index
          %get3A_313 = arith.constant 64 : index
          %get3A_314 = tpu.vector_load %arg11[%get3A_312, %get3A_313] {strides = array<i32>} : memref<128x128xf32, #tpu.memory_space<vmem>>, vector<16xf32>,
          %mul3A_315 = arith.mulf %get3A_314, %gather3A_109 : vector<16xf32>
          %add3A_316 = arith.constant 2 : i32
          %add3A_317 = arith.addi %mul3A_98, %add3A_316 : i32
          %swap3A_318 = arith.index_cast %add3A_317 : i32 to index
          %swap3A_319 = arith.constant 64 : index
          %swap3A_320 = tpu.vector_load %arg11[%swap3A_318, %swap3A_319] {strides = array<i32>} : memref<128x128xf32, #tpu.memory_space<vmem>>, vector<16xf32>,
          tpu.vector_store %arg11[%swap3A_318, %swap3A_319], %mul3A_315 {strides = array<i32>} : memref<128x128xf32, #tpu.memory_space<vmem>>, vector<16xf32>,
          %add3A_321 = arith.constant 3 : i32
          %add3A_322 = arith.addi %mul3A_98, %add3A_321 : i32
          %get3A_323 = arith.index_cast %add3A_322 : i32 to index
          %get3A_324 = arith.constant 64 : index
          %get3A_325 = tpu.vector_load %arg11[%get3A_323, %get3A_324] {strides = array<i32>} : memref<128x128xf32, #tpu.memory_space<vmem>>, vector<16xf32>,
          %mul3A_326 = arith.mulf %get3A_325, %gather3A_113 : vector<16xf32>
          %add3A_327 = arith.constant 3 : i32
          %add3A_328 = arith.addi %mul3A_98, %add3A_327 : i32
          %swap3A_329 = arith.index_cast %add3A_328 : i32 to index
          %swap3A_330 = arith.constant 64 : index
          %swap3A_331 = tpu.vector_load %arg11[%swap3A_329, %swap3A_330] {strides = array<i32>} : memref<128x128xf32, #tpu.memory_space<vmem>>, vector<16xf32>,
          tpu.vector_store %arg11[%swap3A_329, %swap3A_330], %mul3A_326 {strides = array<i32>} : memref<128x128xf32, #tpu.memory_space<vmem>>, vector<16xf32>,
          %add3A_332 = arith.constant 0 : i32
          %add3A_333 = arith.addi %mul3A_98, %add3A_332 : i32
          %get3A_334 = arith.index_cast %add3A_333 : i32 to index
          %get3A_335 = arith.constant 80 : index
          %get3A_336 = tpu.vector_load %arg11[%get3A_334, %get3A_335] {strides = array<i32>} : memref<128x128xf32, #tpu.memory_space<vmem>>, vector<16xf32>,
          %mul3A_337 = arith.mulf %get3A_336, %gather3A : vector<16xf32>
          %add3A_338 = arith.constant 0 : i32
          %add3A_339 = arith.addi %mul3A_98, %add3A_338 : i32
          %swap3A_340 = arith.index_cast %add3A_339 : i32 to index
          %swap3A_341 = arith.constant 80 : index
          %swap3A_342 = tpu.vector_load %arg11[%swap3A_340, %swap3A_341] {strides = array<i32>} : memref<128x128xf32, #tpu.memory_space<vmem>>, vector<16xf32>,
          tpu.vector_store %arg11[%swap3A_340, %swap3A_341], %mul3A_337 {strides = array<i32>} : memref<128x128xf32, #tpu.memory_space<vmem>>, vector<16xf32>,
          %add3A_343 = arith.constant 1 : i32
          %add3A_344 = arith.addi %mul3A_98, %add3A_343 : i32
          %get3A_345 = arith.index_cast %add3A_344 : i32 to index
          %get3A_346 = arith.constant 80 : index
          %get3A_347 = tpu.vector_load %arg11[%get3A_345, %get3A_346] {strides = array<i32>} : memref<128x128xf32, #tpu.memory_space<vmem>>, vector<16xf32>,
          %mul3A_348 = arith.mulf %get3A_347, %gather3A_105 : vector<16xf32>
          %add3A_349 = arith.constant 1 : i32
          %add3A_350 = arith.addi %mul3A_98, %add3A_349 : i32
          %swap3A_351 = arith.index_cast %add3A_350 : i32 to index
          %swap3A_352 = arith.constant 80 : index
          %swap3A_353 = tpu.vector_load %arg11[%swap3A_351, %swap3A_352] {strides = array<i32>} : memref<128x128xf32, #tpu.memory_space<vmem>>, vector<16xf32>,
          tpu.vector_store %arg11[%swap3A_351, %swap3A_352], %mul3A_348 {strides = array<i32>} : memref<128x128xf32, #tpu.memory_space<vmem>>, vector<16xf32>,
          %add3A_354 = arith.constant 2 : i32
          %add3A_355 = arith.addi %mul3A_98, %add3A_354 : i32
          %get3A_356 = arith.index_cast %add3A_355 : i32 to index
          %get3A_357 = arith.constant 80 : index
          %get3A_358 = tpu.vector_load %arg11[%get3A_356, %get3A_357] {strides = array<i32>} : memref<128x128xf32, #tpu.memory_space<vmem>>, vector<16xf32>,
          %mul3A_359 = arith.mulf %get3A_358, %gather3A_109 : vector<16xf32>
          %add3A_360 = arith.constant 2 : i32
          %add3A_361 = arith.addi %mul3A_98, %add3A_360 : i32
          %swap3A_362 = arith.index_cast %add3A_361 : i32 to index
          %swap3A_363 = arith.constant 80 : index
          %swap3A_364 = tpu.vector_load %arg11[%swap3A_362, %swap3A_363] {strides = array<i32>} : memref<128x128xf32, #tpu.memory_space<vmem>>, vector<16xf32>,
          tpu.vector_store %arg11[%swap3A_362, %swap3A_363], %mul3A_359 {strides = array<i32>} : memref<128x128xf32, #tpu.memory_space<vmem>>, vector<16xf32>,
          %add3A_365 = arith.constant 3 : i32
          %add3A_366 = arith.addi %mul3A_98, %add3A_365 : i32
          %get3A_367 = arith.index_cast %add3A_366 : i32 to index
          %get3A_368 = arith.constant 80 : index
          %get3A_369 = tpu.vector_load %arg11[%get3A_367, %get3A_368] {strides = array<i32>} : memref<128x128xf32, #tpu.memory_space<vmem>>, vector<16xf32>,
          %mul3A_370 = arith.mulf %get3A_369, %gather3A_113 : vector<16xf32>
          %add3A_371 = arith.constant 3 : i32
          %add3A_372 = arith.addi %mul3A_98, %add3A_371 : i32
          %swap3A_373 = arith.index_cast %add3A_372 : i32 to index
          %swap3A_374 = arith.constant 80 : index
          %swap3A_375 = tpu.vector_load %arg11[%swap3A_373, %swap3A_374] {strides = array<i32>} : memref<128x128xf32, #tpu.memory_space<vmem>>, vector<16xf32>,
          tpu.vector_store %arg11[%swap3A_373, %swap3A_374], %mul3A_370 {strides = array<i32>} : memref<128x128xf32, #tpu.memory_space<vmem>>, vector<16xf32>,
          %add3A_376 = arith.constant 0 : i32
          %add3A_377 = arith.addi %mul3A_98, %add3A_376 : i32
          %get3A_378 = arith.index_cast %add3A_377 : i32 to index
          %get3A_379 = arith.constant 96 : index
          %get3A_380 = tpu.vector_load %arg11[%get3A_378, %get3A_379] {strides = array<i32>} : memref<128x128xf32, #tpu.memory_space<vmem>>, vector<16xf32>,
          %mul3A_381 = arith.mulf %get3A_380, %gather3A : vector<16xf32>
          %add3A_382 = arith.constant 0 : i32
          %add3A_383 = arith.addi %mul3A_98, %add3A_382 : i32
          %swap3A_384 = arith.index_cast %add3A_383 : i32 to index
          %swap3A_385 = arith.constant 96 : index
          %swap3A_386 = tpu.vector_load %arg11[%swap3A_384, %swap3A_385] {strides = array<i32>} : memref<128x128xf32, #tpu.memory_space<vmem>>, vector<16xf32>,
          tpu.vector_store %arg11[%swap3A_384, %swap3A_385], %mul3A_381 {strides = array<i32>} : memref<128x128xf32, #tpu.memory_space<vmem>>, vector<16xf32>,
          %add3A_387 = arith.constant 1 : i32
          %add3A_388 = arith.addi %mul3A_98, %add3A_387 : i32
          %get3A_389 = arith.index_cast %add3A_388 : i32 to index
          %get3A_390 = arith.constant 96 : index
          %get3A_391 = tpu.vector_load %arg11[%get3A_389, %get3A_390] {strides = array<i32>} : memref<128x128xf32, #tpu.memory_space<vmem>>, vector<16xf32>,
          %mul3A_392 = arith.mulf %get3A_391, %gather3A_105 : vector<16xf32>
          %add3A_393 = arith.constant 1 : i32
          %add3A_394 = arith.addi %mul3A_98, %add3A_393 : i32
          %swap3A_395 = arith.index_cast %add3A_394 : i32 to index
          %swap3A_396 = arith.constant 96 : index
          %swap3A_397 = tpu.vector_load %arg11[%swap3A_395, %swap3A_396] {strides = array<i32>} : memref<128x128xf32, #tpu.memory_space<vmem>>, vector<16xf32>,
          tpu.vector_store %arg11[%swap3A_395, %swap3A_396], %mul3A_392 {strides = array<i32>} : memref<128x128xf32, #tpu.memory_space<vmem>>, vector<16xf32>,
          %add3A_398 = arith.constant 2 : i32
          %add3A_399 = arith.addi %mul3A_98, %add3A_398 : i32
          %get3A_400 = arith.index_cast %add3A_399 : i32 to index
          %get3A_401 = arith.constant 96 : index
          %get3A_402 = tpu.vector_load %arg11[%get3A_400, %get3A_401] {strides = array<i32>} : memref<128x128xf32, #tpu.memory_space<vmem>>, vector<16xf32>,
          %mul3A_403 = arith.mulf %get3A_402, %gather3A_109 : vector<16xf32>
          %add3A_404 = arith.constant 2 : i32
          %add3A_405 = arith.addi %mul3A_98, %add3A_404 : i32
          %swap3A_406 = arith.index_cast %add3A_405 : i32 to index
          %swap3A_407 = arith.constant 96 : index
          %swap3A_408 = tpu.vector_load %arg11[%swap3A_406, %swap3A_407] {strides = array<i32>} : memref<128x128xf32, #tpu.memory_space<vmem>>, vector<16xf32>,
          tpu.vector_store %arg11[%swap3A_406, %swap3A_407], %mul3A_403 {strides = array<i32>} : memref<128x128xf32, #tpu.memory_space<vmem>>, vector<16xf32>,
          %add3A_409 = arith.constant 3 : i32
          %add3A_410 = arith.addi %mul3A_98, %add3A_409 : i32
          %get3A_411 = arith.index_cast %add3A_410 : i32 to index
          %get3A_412 = arith.constant 96 : index
          %get3A_413 = tpu.vector_load %arg11[%get3A_411, %get3A_412] {strides = array<i32>} : memref<128x128xf32, #tpu.memory_space<vmem>>, vector<16xf32>,
          %mul3A_414 = arith.mulf %get3A_413, %gather3A_113 : vector<16xf32>
          %add3A_415 = arith.constant 3 : i32
          %add3A_416 = arith.addi %mul3A_98, %add3A_415 : i32
          %swap3A_417 = arith.index_cast %add3A_416 : i32 to index
          %swap3A_418 = arith.constant 96 : index
          %swap3A_419 = tpu.vector_load %arg11[%swap3A_417, %swap3A_418] {strides = array<i32>} : memref<128x128xf32, #tpu.memory_space<vmem>>, vector<16xf32>,
          tpu.vector_store %arg11[%swap3A_417, %swap3A_418], %mul3A_414 {strides = array<i32>} : memref<128x128xf32, #tpu.memory_space<vmem>>, vector<16xf32>,
          %add3A_420 = arith.constant 0 : i32
          %add3A_421 = arith.addi %mul3A_98, %add3A_420 : i32
          %get3A_422 = arith.index_cast %add3A_421 : i32 to index
          %get3A_423 = arith.constant 112 : index
          %get3A_424 = tpu.vector_load %arg11[%get3A_422, %get3A_423] {strides = array<i32>} : memref<128x128xf32, #tpu.memory_space<vmem>>, vector<16xf32>,
          %mul3A_425 = arith.mulf %get3A_424, %gather3A : vector<16xf32>
          %add3A_426 = arith.constant 0 : i32
          %add3A_427 = arith.addi %mul3A_98, %add3A_426 : i32
          %swap3A_428 = arith.index_cast %add3A_427 : i32 to index
          %swap3A_429 = arith.constant 112 : index
          %swap3A_430 = tpu.vector_load %arg11[%swap3A_428, %swap3A_429] {strides = array<i32>} : memref<128x128xf32, #tpu.memory_space<vmem>>, vector<16xf32>,
          tpu.vector_store %arg11[%swap3A_428, %swap3A_429], %mul3A_425 {strides = array<i32>} : memref<128x128xf32, #tpu.memory_space<vmem>>, vector<16xf32>,
          %add3A_431 = arith.constant 1 : i32
          %add3A_432 = arith.addi %mul3A_98, %add3A_431 : i32
          %get3A_433 = arith.index_cast %add3A_432 : i32 to index
          %get3A_434 = arith.constant 112 : index
          %get3A_435 = tpu.vector_load %arg11[%get3A_433, %get3A_434] {strides = array<i32>} : memref<128x128xf32, #tpu.memory_space<vmem>>, vector<16xf32>,
          %mul3A_436 = arith.mulf %get3A_435, %gather3A_105 : vector<16xf32>
          %add3A_437 = arith.constant 1 : i32
          %add3A_438 = arith.addi %mul3A_98, %add3A_437 : i32
          %swap3A_439 = arith.index_cast %add3A_438 : i32 to index
          %swap3A_440 = arith.constant 112 : index
          %swap3A_441 = tpu.vector_load %arg11[%swap3A_439, %swap3A_440] {strides = array<i32>} : memref<128x128xf32, #tpu.memory_space<vmem>>, vector<16xf32>,
          tpu.vector_store %arg11[%swap3A_439, %swap3A_440], %mul3A_436 {strides = array<i32>} : memref<128x128xf32, #tpu.memory_space<vmem>>, vector<16xf32>,
          %add3A_442 = arith.constant 2 : i32
          %add3A_443 = arith.addi %mul3A_98, %add3A_442 : i32
          %get3A_444 = arith.index_cast %add3A_443 : i32 to index
          %get3A_445 = arith.constant 112 : index
          %get3A_446 = tpu.vector_load %arg11[%get3A_444, %get3A_445] {strides = array<i32>} : memref<128x128xf32, #tpu.memory_space<vmem>>, vector<16xf32>,
          %mul3A_447 = arith.mulf %get3A_446, %gather3A_109 : vector<16xf32>
          %add3A_448 = arith.constant 2 : i32
          %add3A_449 = arith.addi %mul3A_98, %add3A_448 : i32
          %swap3A_450 = arith.index_cast %add3A_449 : i32 to index
          %swap3A_451 = arith.constant 112 : index
          %swap3A_452 = tpu.vector_load %arg11[%swap3A_450, %swap3A_451] {strides = array<i32>} : memref<128x128xf32, #tpu.memory_space<vmem>>, vector<16xf32>,
          tpu.vector_store %arg11[%swap3A_450, %swap3A_451], %mul3A_447 {strides = array<i32>} : memref<128x128xf32, #tpu.memory_space<vmem>>, vector<16xf32>,
          %add3A_453 = arith.constant 3 : i32
          %add3A_454 = arith.addi %mul3A_98, %add3A_453 : i32
          %get3A_455 = arith.index_cast %add3A_454 : i32 to index
          %get3A_456 = arith.constant 112 : index
          %get3A_457 = tpu.vector_load %arg11[%get3A_455, %get3A_456] {strides = array<i32>} : memref<128x128xf32, #tpu.memory_space<vmem>>, vector<16xf32>,
          %mul3A_458 = arith.mulf %get3A_457, %gather3A_113 : vector<16xf32>
          %add3A_459 = arith.constant 3 : i32
          %add3A_460 = arith.addi %mul3A_98, %add3A_459 : i32
          %swap3A_461 = arith.index_cast %add3A_460 : i32 to index
          %swap3A_462 = arith.constant 112 : index
          %swap3A_463 = tpu.vector_load %arg11[%swap3A_461, %swap3A_462] {strides = array<i32>} : memref<128x128xf32, #tpu.memory_space<vmem>>, vector<16xf32>,
          tpu.vector_store %arg11[%swap3A_461, %swap3A_462], %mul3A_458 {strides = array<i32>} : memref<128x128xf32, #tpu.memory_space<vmem>>, vector<16xf32>,
          %scan3A_464 = arith.constant 0 : i32
          scf.yield %scan3A_464 : i32
        }
        %scan3A_93 = arith.constant 32 : i32
        "tpu.region"() ({
          %run_scoped3A = tpu.sem_alloc : memref<!tpu.dma_semaphore, #tpu.memory_space<semaphore_mem>>
          %dma_start3A_95 = arith.constant 0 : i32
          %dma_start3A_96 = tpu.memref_slice %arg8[%add3A_58, %dma_start3A_95] : memref<40x128xi32, #tpu.memory_space<vmem>> -> memref<1x128xi32, #tpu.memory_space<vmem>>
          %dma_start3A_97 = tpu.memref_squeeze %dma_start3A_96 : memref<1x128xi32, #tpu.memory_space<vmem>> -> memref<128xi32, #tpu.memory_space<vmem>>
          %dma_start3A_98 = arith.constant 0 : i32
          %dma_start3A_99 = arith.constant 0 : i32
          %dma_start3A_100 = tpu.memref_slice %arg12[%dma_start3A_98, %dma_start3A_99] : memref<10000x128xf32, #tpu.memory_space<vmem_shared>> -> memref<10000x128xf32, #tpu.memory_space<vmem_shared>>
          tpu.enqueue_indirect_dma source(%arg11 : memref<128x128xf32, #tpu.memory_space<vmem>>) target(%dma_start3A_100 : memref<10000x128xf32, #tpu.memory_space<vmem_shared>>) offsets(%dma_start3A_97 : memref<128xi32, #tpu.memory_space<vmem>>) semaphore(%run_scoped3A : memref<!tpu.dma_semaphore, #tpu.memory_space<semaphore_mem>>) {add = true}
          %dma_wait3A_101 = arith.constant 0 : i32
          %dma_wait3A_102 = tpu.memref_slice %arg8[%add3A_58, %dma_wait3A_101] : memref<40x128xi32, #tpu.memory_space<vmem>> -> memref<1x128xi32, #tpu.memory_space<vmem>>
          %dma_wait3A_103 = tpu.memref_squeeze %dma_wait3A_102 : memref<1x128xi32, #tpu.memory_space<vmem>> -> memref<128xi32, #tpu.memory_space<vmem>>
          %dma_wait3A_104 = arith.constant 0 : i32
          %dma_wait3A_105 = arith.constant 0 : i32
          %dma_wait3A_106 = tpu.memref_slice %arg12[%dma_wait3A_104, %dma_wait3A_105] : memref<10000x128xf32, #tpu.memory_space<vmem_shared>> -> memref<10000x128xf32, #tpu.memory_space<vmem_shared>>
          tpu.wait_indirect_dma semaphore(%run_scoped3A : memref<!tpu.dma_semaphore, #tpu.memory_space<semaphore_mem>>) src(%arg11 : memref<128x128xf32, #tpu.memory_space<vmem>>) dst(%dma_wait3A_106 : memref<10000x128xf32, #tpu.memory_space<vmem_shared>>)
          tpu.yield
        }) : () -> ()
        %scan3A_94 = arith.constant 0 : i32
        scf.yield %scan3A_94 : i32
      }
      %scan3A_49 = arith.constant 20 : i32
      %scan3A_50 = arith.constant 0 : i32
      scf.yield %scan3A_50 : i32
    }
    %scan3A_21 = arith.constant 2 : i32
    %barrier3A_22 = arith.constant 0 : index
    tpu.barrier barrier_id(%barrier3A_22)
    %scan3A_23 = arith.constant 0 : i32
    %scan3A_24 = arith.constant 0 : i32
    %scan3A_25 = arith.constant 8 : i32
    %scan3A_26 = arith.addi %scan3A_24, %scan3A_25 : i32
    %scan3A_27 = arith.constant 1 : i32
    %scan3A_28 = scf.for %scan3A_30 = %scan3A_24 to %scan3A_26 step %scan3A_27 iter_args(%scan3A_31 = %scan3A_23) -> (i32)  : i32 {
      %mul3A_32 = arith.constant 16 : i32
      %mul3A_33 = arith.muli %scan3A_30, %mul3A_32 : i32
      %add3A_34 = arith.addi %arg1, %mul3A_33 : i32
      %lt3A = arith.constant 125 : i32
      %lt3A_35 = arith.cmpi slt, %add3A_34, %lt3A : i32
      %convert_element_type3A = arith.extui %lt3A_35 : i1 to i32
      %cond3A = arith.constant 0 : i32
      %cond3A_36 = arith.cmpi ne, %convert_element_type3A, %cond3A : i32
      scf.if %cond3A_36 {
        %mul3A_38 = arith.constant 80 : i32
        %mul3A_39 = arith.muli %add3A_34, %mul3A_38 : i32
        "tpu.region"() ({
          %run_scoped3A = tpu.sem_alloc : memref<!tpu.dma_semaphore, #tpu.memory_space<semaphore_mem>>
          %dma_start3A = arith.constant 0 : i32
          %dma_start3A_40 = tpu.memref_slice %arg6[%arg0, %mul3A_39, %dma_start3A] : memref<2x10000x128xf32, #tpu.memory_space<hbm>> -> memref<1x80x128xf32, #tpu.memory_space<hbm>>
          %dma_start3A_41 = tpu.memref_squeeze %dma_start3A_40 : memref<1x80x128xf32, #tpu.memory_space<hbm>> -> memref<80x128xf32, #tpu.memory_space<hbm>>
          %dma_start3A_42 = arith.constant 0 : i32
          %dma_start3A_43 = tpu.memref_slice %arg12[%mul3A_39, %dma_start3A_42] : memref<10000x128xf32, #tpu.memory_space<vmem_shared>> -> memref<80x128xf32, #tpu.memory_space<vmem_shared>>
          tpu.enqueue_dma source(%dma_start3A_43 : memref<80x128xf32, #tpu.memory_space<vmem_shared>>) target(%dma_start3A_41 : memref<80x128xf32, #tpu.memory_space<hbm>>) target_semaphore(%run_scoped3A : memref<!tpu.dma_semaphore, #tpu.memory_space<semaphore_mem>>)
          %dma_wait3A = arith.constant 0 : i32
          %dma_wait3A_44 = tpu.memref_slice %arg6[%arg0, %mul3A_39, %dma_wait3A] : memref<2x10000x128xf32, #tpu.memory_space<hbm>> -> memref<1x80x128xf32, #tpu.memory_space<hbm>>
          %dma_wait3A_45 = tpu.memref_squeeze %dma_wait3A_44 : memref<1x80x128xf32, #tpu.memory_space<hbm>> -> memref<80x128xf32, #tpu.memory_space<hbm>>
          %dma_wait3A_46 = arith.constant 0 : i32
          %dma_wait3A_47 = tpu.memref_slice %arg12[%mul3A_39, %dma_wait3A_46] : memref<10000x128xf32, #tpu.memory_space<vmem_shared>> -> memref<80x128xf32, #tpu.memory_space<vmem_shared>>
          tpu.wait_dma2 semaphore(%run_scoped3A : memref<!tpu.dma_semaphore, #tpu.memory_space<semaphore_mem>>) src(%dma_wait3A_47 : memref<80x128xf32, #tpu.memory_space<vmem_shared>>) dst(%dma_wait3A_45 : memref<80x128xf32, #tpu.memory_space<hbm>>)
          tpu.yield
        }) : () -> ()
      } else {
      }
      %scan3A_37 = arith.constant 0 : i32
      scf.yield %scan3A_37 : i32
    }
    %scan3A_29 = arith.constant 8 : i32
    return
  }
}

module attributes {stable_mosaic.version = 14 : i64} {
  func.func @_mm_body(%arg0: i32, %arg1: memref<400x128xf32, #tpu.memory_space<vmem>>, %arg2: memref<128x128xf32, #tpu.memory_space<vmem>>, %arg3: memref<400x128xf32, #tpu.memory_space<vmem>>) attributes {dimension_semantics = [#tpu.dimension_semantics<arbitrary>], iteration_bounds = array<i64: 25>, scalar_prefetch = 0 : i64, scratch_operands = 0 : i64, tpu.core_type = #tpu.core_type<tc>, window_params = [{transform_indices = @transform_0, window_bounds = array<i64: 400, 128>}, {pipeline_mode = #tpu.pipeline_mode<synchronous>, transform_indices = @transform_1, window_bounds = array<i64: 128, 128>}, {transform_indices = @transform_2, window_bounds = array<i64: 400, 128>}]} {
    %get3A = arith.constant 0 : index
    %get3A_0 = arith.constant 0 : index
    %get3A_1 = vector.load %arg1[%get3A, %get3A_0] : memref<400x128xf32, #tpu.memory_space<vmem>>, vector<400x128xf32>
    %get3A_2 = arith.constant 0 : index
    %get3A_3 = arith.constant 0 : index
    %get3A_4 = vector.load %arg2[%get3A_2, %get3A_3] : memref<128x128xf32, #tpu.memory_space<vmem>>, vector<128x128xf32>
    %dot_general3A = arith.constant dense<0.000000e+00> : vector<400x128xf32>
    %dot_general3A_5 = tpu.matmul %get3A_1, %get3A_4, %dot_general3A {dimension_numbers = #tpu.dot_dimension_numbers<[1], [0], [0], [1], [0, 0, 1, 1], [], []>, transpose_lhs_hint = false} : vector<400x128xf32>, vector<128x128xf32>, vector<400x128xf32> -> vector<400x128xf32>
    %swap3A = arith.constant 0 : index
    %swap3A_6 = arith.constant 0 : index
    %swap3A_7 = vector.load %arg3[%swap3A, %swap3A_6] : memref<400x128xf32, #tpu.memory_space<vmem>>, vector<400x128xf32>
    tpu.vector_store %arg3[%swap3A, %swap3A_6], %dot_general3A_5 {strides = array<i32>} : memref<400x128xf32, #tpu.memory_space<vmem>>, vector<400x128xf32>,
    return
  }
  func.func @transform_0(%arg0: i32) -> (i32, i32) {
    %c0_i32 = arith.constant 0 : i32
    %c0_i32_0 = arith.constant 0 : i32
    return %arg0, %c0_i32 : i32, i32
  }
  func.func @transform_1(%arg0: i32) -> (i32, i32) {
    %c0_i32 = arith.constant 0 : i32
    %c0_i32_0 = arith.constant 0 : i32
    %c0_i32_1 = arith.constant 0 : i32
    return %c0_i32, %c0_i32_0 : i32, i32
  }
  func.func @transform_2(%arg0: i32) -> (i32, i32) {
    %c0_i32 = arith.constant 0 : i32
    %c0_i32_0 = arith.constant 0 : i32
    return %arg0, %c0_i32 : i32, i32
  }
}

module attributes {stable_mosaic.version = 14 : i64} {
  func.func @_gk_body(%arg0: i32, %arg1: memref<400x128xf32, #tpu.memory_space<vmem>>, %arg2: memref<400x1xf32, #tpu.memory_space<vmem>>, %arg3: memref<400x1xf32, #tpu.memory_space<vmem>>, %arg4: memref<400x128xf32, #tpu.memory_space<vmem>>, %arg5: memref<400x1xf32, #tpu.memory_space<vmem>>) attributes {dimension_semantics = [#tpu.dimension_semantics<arbitrary>], iteration_bounds = array<i64: 25>, scalar_prefetch = 0 : i64, scratch_operands = 0 : i64, tpu.core_type = #tpu.core_type<tc>, window_params = [{transform_indices = @transform_0, window_bounds = array<i64: 400, 128>}, {transform_indices = @transform_1, window_bounds = array<i64: 400, 1>}, {transform_indices = @transform_2, window_bounds = array<i64: 400, 1>}, {transform_indices = @transform_3, window_bounds = array<i64: 400, 128>}, {transform_indices = @transform_4, window_bounds = array<i64: 400, 1>}]} {
    %get3A = arith.constant 0 : index
    %get3A_0 = arith.constant 0 : index
    %get3A_1 = vector.load %arg2[%get3A, %get3A_0] : memref<400x1xf32, #tpu.memory_space<vmem>>, vector<400x1xf32>
    %get3A_2 = vector.shape_cast %get3A_1 : vector<400x1xf32> to vector<400xf32>
    %get3A_3 = arith.constant 0 : index
    %get3A_4 = arith.constant 0 : index
    %get3A_5 = vector.load %arg3[%get3A_3, %get3A_4] : memref<400x1xf32, #tpu.memory_space<vmem>>, vector<400x1xf32>
    %get3A_6 = vector.shape_cast %get3A_5 : vector<400x1xf32> to vector<400xf32>
    %add3A = arith.addf %get3A_2, %get3A_6 : vector<400xf32>
    %gt3A = arith.constant 0.000000e+00 : f32
    %gt3A_7 = vector.broadcast %gt3A : f32 to vector<400xf32>
    %gt3A_8 = arith.cmpf ogt, %add3A, %gt3A_7 : vector<400xf32>
    %gt3A_9 = arith.constant 0.000000e+00 : f32
    %gt3A_10 = vector.broadcast %gt3A_9 : f32 to vector<400xf32>
    %gt3A_11 = arith.cmpf ogt, %add3A, %gt3A_10 : vector<400xf32>
    %jit3A = arith.constant 1.000000e+00 : f32
    %broadcast_in_dim3A = vector.broadcast %jit3A : f32 to vector<400xf32>
    %select_n3A = arith.select %gt3A_11, %add3A, %broadcast_in_dim3A : vector<400xi1>, vector<400xf32>
    %rsqrt3A = math.rsqrt %select_n3A : vector<400xf32>
    %jit3A_12 = arith.constant 0.000000e+00 : f32
    %broadcast_in_dim3A_13 = vector.broadcast %jit3A_12 : f32 to vector<400xf32>
    %select_n3A_14 = arith.select %gt3A_8, %rsqrt3A, %broadcast_in_dim3A_13 : vector<400xi1>, vector<400xf32>
    %broadcast_in_dim3A_15 = vector.shape_cast %select_n3A_14 : vector<400xf32> to vector<400x1xf32>
    %swap3A = arith.constant 0 : index
    %swap3A_16 = arith.constant 0 : index
    %swap3A_17 = vector.load %arg5[%swap3A, %swap3A_16] : memref<400x1xf32, #tpu.memory_space<vmem>>, vector<400x1xf32>
    tpu.vector_store %arg5[%swap3A, %swap3A_16], %broadcast_in_dim3A_15 {strides = array<i32>} : memref<400x1xf32, #tpu.memory_space<vmem>>, vector<400x1xf32>,
    %get3A_18 = arith.constant 0 : index
    %get3A_19 = arith.constant 0 : index
    %get3A_20 = vector.load %arg1[%get3A_18, %get3A_19] : memref<400x128xf32, #tpu.memory_space<vmem>>, vector<400x128xf32>
    %broadcast_in_dim3A_21 = vector.shape_cast %select_n3A_14 : vector<400xf32> to vector<400x1xf32>
    %mul3A = vector.broadcast %broadcast_in_dim3A_21 : vector<400x1xf32> to vector<400x128xf32>
    %mul3A_22 = arith.mulf %get3A_20, %mul3A : vector<400x128xf32>
    %swap3A_23 = arith.constant 0 : index
    %swap3A_24 = arith.constant 0 : index
    %swap3A_25 = vector.load %arg4[%swap3A_23, %swap3A_24] : memref<400x128xf32, #tpu.memory_space<vmem>>, vector<400x128xf32>
    tpu.vector_store %arg4[%swap3A_23, %swap3A_24], %mul3A_22 {strides = array<i32>} : memref<400x128xf32, #tpu.memory_space<vmem>>, vector<400x128xf32>,
    return
  }
  func.func @transform_0(%arg0: i32) -> (i32, i32) {
    %c0_i32 = arith.constant 0 : i32
    %c0_i32_0 = arith.constant 0 : i32
    return %arg0, %c0_i32 : i32, i32
  }
  func.func @transform_1(%arg0: i32) -> (i32, i32) {
    %c0_i32 = arith.constant 0 : i32
    %c0_i32_0 = arith.constant 0 : i32
    return %arg0, %c0_i32 : i32, i32
  }
  func.func @transform_2(%arg0: i32) -> (i32, i32) {
    %c0_i32 = arith.constant 0 : i32
    %c0_i32_0 = arith.constant 0 : i32
    return %arg0, %c0_i32 : i32, i32
  }
  func.func @transform_3(%arg0: i32) -> (i32, i32) {
    %c0_i32 = arith.constant 0 : i32
    %c0_i32_0 = arith.constant 0 : i32
    return %arg0, %c0_i32 : i32, i32
  }
  func.func @transform_4(%arg0: i32) -> (i32, i32) {
    %c0_i32 = arith.constant 0 : i32
    %c0_i32_0 = arith.constant 0 : i32
    return %arg0, %c0_i32 : i32, i32
  }
}

module attributes {stable_mosaic.version = 14 : i64} {
  func.func @_fin_body(%arg0: i32, %arg1: memref<2x400x128xf32, #tpu.memory_space<vmem>>, %arg2: memref<400x1xf32, #tpu.memory_space<vmem>>, %arg3: memref<128xf32, #tpu.memory_space<vmem>>, %arg4: memref<400x128xf32, #tpu.memory_space<vmem>>) attributes {dimension_semantics = [#tpu.dimension_semantics<arbitrary>], iteration_bounds = array<i64: 25>, scalar_prefetch = 0 : i64, scratch_operands = 0 : i64, tpu.core_type = #tpu.core_type<tc>, window_params = [{transform_indices = @transform_0, window_bounds = array<i64: 2, 400, 128>}, {transform_indices = @transform_1, window_bounds = array<i64: 400, 1>}, {pipeline_mode = #tpu.pipeline_mode<synchronous>, transform_indices = @transform_2, window_bounds = array<i64: 128>}, {transform_indices = @transform_3, window_bounds = array<i64: 400, 128>}]} {
    %get3A = arith.constant 0 : index
    %get3A_0 = arith.constant 0 : index
    %get3A_1 = arith.constant 0 : index
    %get3A_2 = vector.load %arg1[%get3A, %get3A_0, %get3A_1] : memref<2x400x128xf32, #tpu.memory_space<vmem>>, vector<1x400x128xf32>
    %get3A_3 = vector.shape_cast %get3A_2 : vector<1x400x128xf32> to vector<400x128xf32>
    %get3A_4 = arith.constant 1 : index
    %get3A_5 = arith.constant 0 : index
    %get3A_6 = arith.constant 0 : index
    %get3A_7 = vector.load %arg1[%get3A_4, %get3A_5, %get3A_6] : memref<2x400x128xf32, #tpu.memory_space<vmem>>, vector<1x400x128xf32>
    %get3A_8 = vector.shape_cast %get3A_7 : vector<1x400x128xf32> to vector<400x128xf32>
    %add3A = arith.addf %get3A_3, %get3A_8 : vector<400x128xf32>
    %get3A_9 = arith.constant 0 : index
    %get3A_10 = arith.constant 0 : index
    %get3A_11 = vector.load %arg2[%get3A_9, %get3A_10] : memref<400x1xf32, #tpu.memory_space<vmem>>, vector<400x1xf32>
    %mul3A = vector.broadcast %get3A_11 : vector<400x1xf32> to vector<400x128xf32>
    %mul3A_12 = arith.mulf %add3A, %mul3A : vector<400x128xf32>
    %get3A_13 = arith.constant 0 : index
    %get3A_14 = vector.load %arg3[%get3A_13] : memref<128xf32, #tpu.memory_space<vmem>>, vector<128xf32>
    %broadcast_in_dim3A = vector.shape_cast %get3A_14 : vector<128xf32> to vector<1x128xf32>
    %add3A_15 = vector.broadcast %broadcast_in_dim3A : vector<1x128xf32> to vector<400x128xf32>
    %add3A_16 = arith.addf %mul3A_12, %add3A_15 : vector<400x128xf32>
    %swap3A = arith.constant 0 : index
    %swap3A_17 = arith.constant 0 : index
    %swap3A_18 = vector.load %arg4[%swap3A, %swap3A_17] : memref<400x128xf32, #tpu.memory_space<vmem>>, vector<400x128xf32>
    tpu.vector_store %arg4[%swap3A, %swap3A_17], %add3A_16 {strides = array<i32>} : memref<400x128xf32, #tpu.memory_space<vmem>>, vector<400x128xf32>,
    return
  }
  func.func @transform_0(%arg0: i32) -> (i32, i32, i32) {
    %c0_i32 = arith.constant 0 : i32
    %c0_i32_0 = arith.constant 0 : i32
    %c0_i32_1 = arith.constant 0 : i32
    return %c0_i32, %arg0, %c0_i32_0 : i32, i32, i32
  }
  func.func @transform_1(%arg0: i32) -> (i32, i32) {
    %c0_i32 = arith.constant 0 : i32
    %c0_i32_0 = arith.constant 0 : i32
    return %arg0, %c0_i32 : i32, i32
  }
  func.func @transform_2(%arg0: i32) -> i32 {
    %c0_i32 = arith.constant 0 : i32
    %c0_i32_0 = arith.constant 0 : i32
    return %c0_i32 : i32
  }
  func.func @transform_3(%arg0: i32) -> (i32, i32) {
    %c0_i32 = arith.constant 0 : i32
    %c0_i32_0 = arith.constant 0 : i32
    return %arg0, %c0_i32 : i32, i32
  }
}

</mosaic_0001>

<sc_bundles>
// kernel: kernel.10.cloned.1.call-start
scs
__scs_entry_jumppad:
0x0: {  	(pc) =	sbr.rel $0x88, $3  }
0x1: {  	(tag) =	ssettag $0x0;
	lr =	simm.s32 $0x1  }
0x2: {  	[smem:$0x3F9C] =	sst lr;
	_ =	strace $0xD0000000  }
0x3: {  	_ = 	snop  }
0x4: {  	_ = 	snop  }
0x5: {  	_ = 	snop  }
0x6: {  	_ = 	snop  }
0x7: {  	_ = 	snop  }
__scs_overlays_trampoline_lowered:
0x8: {  	[smem:$0x3FAB] =	sst s0  }
0x9: {  	[smem:$0x3FAC] =	sst s1  }
0xa: {  	[smem:$0x3FAD] =	sst s2  }
0xb: {  	[smem:$0x3FAE] =	sst s3  }
0xc: {  	[smem:$0x3FAF] =	sst s4  }
0xd: {  	[smem:$0x3FB0] =	sst s5  }
0xe: {  	[smem:$0x3FB1] =	sst s6  }
0xf: {  	[smem:$0x3FB2] =	sst s7  }
0x10: {  	[smem:$0x3FB3] =	sst s8  }
0x11: {  	[smem:$0x3FB4] =	sst s9;
	s0 =	simm.s32 @!p0 $0x0  }
0x12: {  	s1 =	sld [smem:$0x3F9A];
	s0 =	simm.s32 @p0 $0x1  }
0x13: {  	[smem:$0x3FB5] =	sst s0;
	s0 =	simm.s32 @!p1 $0x0  }
0x14: {  	s2 =	sld [smem:$0x3F99];
	s0 =	simm.s32 @p1 $0x1  }
0x15: {  	[smem:$0x3FB6] =	sst s0;
	s0 =	simm.s32 @!p2 $0x0  }
0x16: {  	s3 =	sld [smem:$0x3FDB];
	s0 =	simm.s32 @p2 $0x1  }
0x17: {  	s4 =	simm.s32 $0x1BF5;
	[smem:$0x3FB8] =	sst s0  }
0x18: {  	s0 =	sld [smem:$0x3F9B];
	_ =	swait.ge [sflag:s4], $0x0  }
0x19: {  	s7 =	sld [smem:$0x3F9C]  }
0x1a: {  	s8 =	sadd.s32 $0xFFFFE003, lr  }
0x1b: {  	s9 =	sadd.s32 $0xFFFFFEF7, lr;
	s5 =	simm.s32 $0xFFFFFFFF;
	p2 =	slt.u32 s8, $0xFFFFF086  }
0x1c: {  	p1 =	slt.u32 s9, $0xF7A;
	s5 =	simm.s32 @!p2 $0x0  }
0x1d: {  	s5 =	simm.s32 @p1 $0x1;
	p0 =	seq.s32 s7, s2  }
0x1e: {  	s7 =	smul.u32 @!p0 $0xF7A, s2;
	p2 =	seq.s32 @!p0 s5, $0x0  }
0x1f: {  	s9 =	smul.u32 $0xF7A, s1;
	s8 =	simm.s32 @!p0 $0x1BF5;
	p2 =	por !p2, p0  }
0x20: {  	[sflag:s8] =	ssyncset.s32 @!p0 $0xFFFFF086;
	s6 =	sadd.s32 @!p0 s3, s7;
	s7 =	simm.s32 @!p0 $0x108  }
0x21: {  	s3 =	sadd.s32 s3, s9;
	s6 =	sadd.s32 @!p0 $0x88, s6;
	s7 =	simm.s32 @p2 $0x1082  }
0x22: {  	[simem:s7], [sflag:s8] =	dma.local @!p0 [hbm:s6], $0xF7A  }
0x23: {  	s9 =	sor.u32 $0xD0000000, s2;
	s6 =	simm.s32 $0x108;
	_ =	swait.ge @!p0 [sflag:s8], $0x0  }
0x24: {  	s3 =	sadd.s32 $0x88, s3;
	s6 =	simm.s32 @!p1 $0x1082;
	[sflag:s4] =	ssyncset.s32 $0xFFFFF086  }
0x25: {  	[simem:s6], [sflag:s4] =	dma.local [hbm:s3], $0xF7A  }
0x26: {  	[smem:$0x3F9C] =	sst s1;
	(tag) =	ssettag s2;
	_ =	strace s9  }
0x27: {  	s1 =	sld [smem:$0x3FAC]  }
0x28: {  	s2 =	sld [smem:$0x3FAD]  }
0x29: {  	s4 =	sld [smem:$0x3FAF]  }
0x2a: {  	p0 =	seq.s32 s5, $0x0;
	s5 =	sld [smem:$0x3FB0]  }
0x2b: {  	s6 =	sld [smem:$0x3FB1]  }
0x2c: {  	s7 =	sld [smem:$0x3FB2]  }
0x2d: {  	s3 =	simm.s32 $0x108;
	s8 =	sld [smem:$0x3FB3]  }
0x2e: {  	s3 =	simm.s32 @!p0 $0x1082;
	s9 =	sld [smem:$0x3FB4]  }
0x2f: {  	lr =	sadd.s32 s0, s3;
	s0 =	sld [smem:$0x3FAB]  }
0x30: {  	s3 =	sld [smem:$0x3FAE]  }
0x31: {  	[smem:$0x3FB7] =	sst s10  }
0x32: {  	s10 =	sld [smem:$0x3FB5];
	_ =	sdelay $0x3  }
0x33: {  	p0 =	seq.s32 s10, $0x1;
	s10 =	sld [smem:$0x3FB7];
	_ =	sdelay $0x3  }
0x34: {  	[smem:$0x3FB7] =	sst s10  }
0x35: {  	s10 =	sld [smem:$0x3FB6];
	_ =	sdelay $0x3  }
0x36: {  	p1 =	seq.s32 s10, $0x1;
	s10 =	sld [smem:$0x3FB7];
	_ =	sdelay $0x3  }
0x37: {  	[smem:$0x3FB7] =	sst s10  }
0x38: {  	s10 =	sld [smem:$0x3FB8]  }
0x39: {  	_ = 	snop;
	(pc) =	sbr.ind lr, $3  }
0x3a: {  	_ = 	snop  }
0x3b: {  	_ = 	snop  }
0x3c: {  	p2 =	seq.s32 s10, $0x1;
	s10 =	sld [smem:$0x3FB7]  }
0x3d: {  	_ =	shalt  }
0x3e: {  	_ =	shalt  }
0x3f: {  	_ =	shalt  }
0x40: {  	_ =	shalt  }
0x41: {  	_ =	shalt  }
0x42: {  	_ =	shalt  }
0x43: {  	_ =	shalt  }
0x44: {  	_ =	shalt  }
0x45: {  	_ =	shalt  }
0x46: {  	_ =	shalt  }
0x47: {  	_ =	shalt  }
0x48: {  	_ =	shalt  }
0x49: {  	_ =	shalt  }
0x4a: {  	_ =	shalt  }
0x4b: {  	_ =	shalt  }
0x4c: {  	_ =	shalt  }
0x4d: {  	_ =	shalt  }
0x4e: {  	_ =	shalt  }
0x4f: {  	_ =	shalt  }
0x50: {  	_ =	shalt  }
0x51: {  	_ =	shalt  }
0x52: {  	_ =	shalt  }
0x53: {  	_ =	shalt  }
0x54: {  	_ =	shalt  }
0x55: {  	_ =	shalt  }
0x56: {  	_ =	shalt  }
0x57: {  	_ =	shalt  }
0x58: {  	_ =	shalt  }
0x59: {  	_ =	shalt  }
0x5a: {  	_ =	shalt  }
0x5b: {  	_ =	shalt  }
0x5c: {  	_ =	shalt  }
0x5d: {  	_ =	shalt  }
0x5e: {  	_ =	shalt  }
0x5f: {  	_ =	shalt  }
0x60: {  	_ =	shalt  }
0x61: {  	_ =	shalt  }
0x62: {  	_ =	shalt  }
0x63: {  	_ =	shalt  }
0x64: {  	_ =	shalt  }
0x65: {  	_ =	shalt  }
0x66: {  	_ =	shalt  }
0x67: {  	_ =	shalt  }
0x68: {  	_ =	shalt  }
0x69: {  	_ =	shalt  }
0x6a: {  	_ =	shalt  }
0x6b: {  	_ =	shalt  }
0x6c: {  	_ =	shalt  }
0x6d: {  	_ =	shalt  }
0x6e: {  	_ =	shalt  }
0x6f: {  	_ =	shalt  }
0x70: {  	_ =	shalt  }
0x71: {  	_ =	shalt  }
0x72: {  	_ =	shalt  }
0x73: {  	_ =	shalt  }
0x74: {  	_ =	shalt  }
0x75: {  	_ =	shalt  }
0x76: {  	_ =	shalt  }
0x77: {  	_ =	shalt  }
0x78: {  	_ =	shalt  }
0x79: {  	_ =	shalt  }
0x7a: {  	_ =	shalt  }
0x7b: {  	_ =	shalt  }
0x7c: {  	_ =	shalt  }
0x7d: {  	_ =	shalt  }
0x7e: {  	_ =	shalt  }
0x7f: {  	_ =	shalt  }
0x80: {  	_ =	shalt  }
0x81: {  	_ =	shalt  }
0x82: {  	_ =	shalt  }
0x83: {  	_ =	shalt  }
0x84: {  	_ =	shalt  }
0x85: {  	_ =	shalt  }
0x86: {  	_ =	shalt  }
0x87: {  	_ =	shalt  }
.Lfunc_end0:
.L_simem_size_0:
called_computation.1_lowered:
.L_overlay_start_0:
0x88: {  	s2 =	sld [smem:$0x3FD9]  }
0x89: {  	s3 =	sld [smem:$0x3FFE];
	_ =	sdelay $0x1  }
0x8a: {  	s1 =	srdreg.scid  }
0x8b: {  	s0 =	sand.u32 $0x1, s1  }
0x8c: {  	s17 =	sshll.u32 s0, $0xA;
	s2 =	sadd.s32 s3, s2  }
0x8d: {  	s2 =	sadd.s32 s2, s17  }
0x8e: {  	[smem:$0x3FC3] =	sst s2  }
0x8f: {  	_ = 	snop  }
0x90: {  	s2 =	sld [smem:$0x3FD0];
	(tm) =	ssettm $0x1  }
0x91: {  	s18 =	sld [smem:$0x3FFB];
	_ =	sdelay $0x3  }
0x92: {  	_ =	strace s18  }
0x93: {  	s3 =	sld [smem:$0x3FFC];
	_ =	sdelay $0x3  }
0x94: {  	_ =	strace s3  }
0x95: {  	s3 =	sld [smem:$0x3FFD];
	_ =	sdelay $0x3  }
0x96: {  	_ =	strace s3  }
0x97: {  	_ =	strace $0x8FFFFFFF  }
0x98: {  	s19 =	sld [smem:$0x3FDB];
	_ =	sdelay $0x1  }
0x99: {  	s4 =	simm.s32 $_scs_section_size  }
0x9a: {  	s5 =	simm.s32 $_size__tile_overlayer_lowered;
	s6 =	simm.s32 $_tile_overlayer_lowered  }
0x9b: {  	s22 =	simm.s32 $0x1BFF;
	s21 =	sshll.u32 s6, $0x1;
	s3 =	sadd.s32 s4, s19  }
0x9c: {  	s7 =	simm.s32 $0x0;
	s20 =	sshll.u32 s5, $0x1;
	s5 =	sadd.s32 s21, s3  }
0x9d: {  	[timem:s7], [sflag:s22] =	dma.local [hbm:s5], s20  }
0x9e: {  	_ =	swait.ge [sflag:s22], s20  }
0x9f: {  	s4 =	ssub.s32 $0x0, s20;
	[sflag:s22] =	ssyncset.done $0x0  }
0xa0: {  	[sflag:s22] =	ssyncadd.s32 s4;
	_ =	sdelay $0x1  }
0xa1: {  	s23 =	simm.s32 $0x1B8B  }
0xa2: {  	_ =	swait.ge [sflag:s23], $0x1  }
0xa3: {  	[sflag:s23] =	ssyncset.done $0x0  }
0xa4: {  	s25 =	simm.s32 $0x1B8E;
	s24 =	sld [smem:$0x3FFE];
	[sflag:s23] =	ssyncadd.s32 $0xFFFFFFFF  }
0xa5: {  	s26 =	simm.s32 $execute0_lowered;
	[smem:$0x3FD2] =	sst s25  }
0xa6: {  	s5 =	sshll.u32 s26, $0x1;
	_ =	strace $0x80000049;
	[dreg:$0x1] =	wrdreg $0xFFFFFFFF  }
0xa7: {  	s28 =	simm.s32 $_size_execute0_lowered;
	s3 =	sadd.s32 s3, s5;
	[dreg:$0x0] =	wrdreg $0x0  }
0xa8: {  	s5 =	sshll.u32 s28, $0x1;
	[dreg:$0x2] =	wrdreg s3  }
0xa9: {  	[dreg:$0x3] =	wrdreg s5  }
0xaa: {  	[dreg:$0x4] =	wrdreg $0xC0  }
0xab: {  	_ =	task [dreg:s7], $0x5FFFF  }
0xac: {  	[dreg:$0x1] =	wrdreg $0xFFFFFFFF  }
0xad: {  	[dreg:$0x0] =	wrdreg $0x60  }
0xae: {  	[dreg:$0x2] =	wrdreg s2  }
0xaf: {  	[dreg:$0x3] =	wrdreg s24  }
0xb0: {  	[dreg:$0x4] =	wrdreg $0xBC000  }
0xb1: {  	[dreg:$0x5] =	wrdreg $0x9  }
0xb2: {  	_ =	task.clear_ibuf [dreg:s7], $0x6FFFF;
	_ =	strace $0x90000049  }
0xb3: {  	s29 =	simm.s32 $0x9;
	_ =	strace $0x8000004B  }
0xb4: {  	_ =	swait.ge [sflag:s29], $0x1  }
0xb5: {  	[sflag:s29] =	ssyncadd.s32 $0xFFFFFFFF  }
0xb6: {  	_ =	strace $0x9000004B  }
0xb7: {  	_ =	sfence  }
0xb8: {  	s30 =	sld [smem:$0x0];
	_ =	sdelay $0x2  }
0xb9: {  	s31 =	sshll.u32 s1, $0xD;
	s1 =	sshrl.u32 s1, $0x2  }
0xba: {  	s3 =	sand.u32 $0x4000, s31;
	s1 =	sadd.s32 s1, s30  }
0xbb: {  	s0 =	sor.u32 s3, s0;
	s1 =	sshll.u32 s1, $0x11  }
0xbc: {  	s0 =	sor.u32 s1, s0  }
0xbd: {  	s0 =	sadd.s32 $0x8F2B, s0  }
0xbe: {  	[sflag:s0] =	ssyncadd.remote.s32 $0x1  }
0xbf: {  	_ =	sfence.sel $0xFFFF  }
0xc0: {  	[dreg:$0x0] =	wrdreg $0xFFFFFFFF;
	(pc) =	sbr.abs _section_cstart, $3  }
0xc1: {  	[dreg:$0x1] =	wrdreg $0xFFFFFFFF  }
0xc2: {  	_ =	task.clear_ibuf [dreg:s7], $0x2FFFF;
	_ =	strace $0x9FFFFFFF  }
0xc3: {  	(tm) =	ssettm $0x7FFFFFFF  }
tec
execute0_lowered:
.L_overlay_start_1:
0x0: {  	(tag) =	ssettag $0x1  }
0x1: {  	s0 =	srdreg.scid;
	s24 =	stileid.u32  }
0x2: {  	s0 =	sand.u32 $0x1, s0;
	s9 =	smul.u32 $0x2800, s24  }
0x3: {  	s1 =	rddreg [dreg:$0x0];
	s8 =	sor.u32 $0x10, s24;
	s7 =	smul.u32 $0x138800, s0  }
0x4: {  	s2 =	rddreg [dreg:$0x1];
	s10 =	sor.u32 $0x20, s24;
	s11 =	smul.u32 $0x2800, s8  }
0x5: {  	s3 =	rddreg [dreg:$0x2];
	s13 =	sor.u32 $0x30, s24;
	s14 =	smul.u32 $0x2800, s10  }
0x6: {  	s28 =	simm.s32 $0x3;
	s20 =	sor.u32 $0x40, s24;
	s15 =	smul.u32 $0x2800, s13  }
0x7: {  	s29 =	simm.s32 $0x1400;
	s21 =	sor.u32 $0x50, s24;
	s17 =	smul.u32 $0x2800, s20  }
0x8: {  	s30 =	simm.s32 $0x2800;
	s22 =	sor.u32 $0x60, s24;
	s25 =	smul.u32 $0x2800, s21  }
0x9: {  	s31 =	simm.s32 $0x80;
	s23 =	sor.u32 $0x70, s24;
	s18 =	smul.u32 $0x2800, s22  }
0xa: {  	s6 =	sadd.s32 $0xBC00, s2;
	s12 =	sadd.s32 $0x1FC00, s2;
	s19 =	smul.u32 $0x2800, s23  }
0xb: {  	s4 =	sshll.u32 s0, $0x4;
	s0 =	ssub.s32 $0x2, s0;
	s21 =	smul.u32 $0xA000, s21  }
0xc: {  	s22 =	smul.u32 $0xA000, s22;
	p0 =	sgt.u32 s23, $0x7C;
	s5 =	sor.u32 s24, s4  }
0xd: {  	s4 =	simm.s32 $0x0;
	s16 =	sshrl.u32 s0, $0x1;
	s5 =	smul.u32 $0x50, s5  }
0xe: {  	[smem:$0x7FF] =	sst s4;
	s0 =	ssub.s32 s0, s16;
	s9 =	sadd.s32 s7, s9  }
0xf: {  	s11 =	sadd.s32 s7, s11;
	s14 =	sadd.s32 s7, s14;
	s15 =	sadd.s32 s7, s15  }
0x10: {  	s17 =	sadd.s32 s7, s17;
	s16 =	sadd.s32 s7, s25;
	s18 =	sadd.s32 s7, s18  }
0x11: {  	s7 =	sadd.s32 s7, s19;
	s19 =	smul.u32 $0xA000, s24;
	_ =	strace $0x8000004A  }
0x12: {  	s9 =	sshrl.u32 s9, $0x3;
	s26 =	sshrl.u32 s11, $0x3;
	s11 =	sshrl.u32 s14, $0x3  }
0x13: {  	s14 =	sshrl.u32 s15, $0x3;
	s24 =	sshrl.u32 s17, $0x3;
	s25 =	sshrl.u32 s16, $0x3  }
0x14: {  	s7 =	sshrl.u32 s7, $0x3;
	s16 =	sadd.s32 $0x1C00, s2;
	s0 =	smax.u32 s0, $0x1  }
0x15: {  	s9 =	sadd.s32 s12, s9;
	s15 =	sadd.s32 s12, s14;
	[dreg:$0xc] =	wrdreg s0  }
0x16: {  	s7 =	sadd.s32 s12, s7;
	s14 =	smul.u32 $0xA000, s10;
	[dreg:$0x4] =	wrdreg s9  }
0x17: {  	s17 =	sshrl.u32 s19, $0x2;
	s19 =	smul.u32 $0xA000, s20;
	[dreg:$0x7] =	wrdreg s15  }
0x18: {  	s9 =	sadd.s32 s12, s26;
	s26 =	sshrl.u32 s18, $0x3;
	[dreg:$0xb] =	wrdreg s7  }
0x19: {  	s15 =	sadd.s32 $0x15C00, s2;
	s18 =	smul.u32 $0xA000, s13;
	[dreg:$0x5] =	wrdreg s9  }
0x1a: {  	s9 =	sadd.s32 s12, s11;
	s11 =	sadd.s32 s12, s26;
	s0 =	sshrl.u32 s14, $0x2  }
0x1b: {  	s2 =	sshrl.u32 s19, $0x2;
	[dreg:$0x6] =	wrdreg s9;
	s9 =	sadd.s32 s12, s24  }
0x1c: {  	[dreg:$0xa] =	wrdreg s11;
	s11 =	sadd.s32 s17, s3;
	s20 =	sshrl.u32 s18, $0x2  }
0x1d: {  	s13 =	sadd.s32 s0, s3;
	s24 =	smul.u32 $0xA000, s23;
	s17 =	sadd.s32 s2, s3  }
0x1e: {  	s0 =	sshrl.u32 s22, $0x2;
	s2 =	simm.s32 $0x1;
	[dreg:$0x8] =	wrdreg s9  }
0x1f: {  	s9 =	sadd.s32 s12, s25;
	s12 =	smul.u32 $0xA000, s8;
	s14 =	sadd.s32 s20, s3  }
0x20: {  	s25 =	sshrl.u32 s21, $0x2;
	s0 =	sadd.s32 s0, s3;
	[dreg:$0x9] =	wrdreg s9  }
0x21: {  	s18 =	sadd.s32 s25, s3;
	[dreg:$0xd] =	wrdreg s0;
	s26 =	sshrl.u32 s24, $0x2  }
0x22: {  	s0 =	simm.s32 $0x7C00;
	s7 =	sshrl.u32 s12, $0x2;
	s25 =	sadd.s32 s26, s3  }
0x23: {  	v0 =	vimm.f32 $0.0e+00;
	s26 =	simm.s32 $0x3C00;
	s12 =	sadd.s32 s7, s3;
	s7 =	simm.s32 $0x2  }
.LBB2_1:
0x24: {  	s8 =	simm.s32 $0x0;
	s9 =	simm.s32 $0x200  }
.LBB2_2:
0x25: {  	p1 =	sne.s32 s9, $0xFE00;
	[tilespmem:s8+$0x3C70] =	vst v0  }
0x26: {  	[tilespmem:s8+$0x3C00] =	vst v0  }
0x27: {  	[tilespmem:s8+$0x3C10] =	vst v0  }
.Ltmp0:
0x28: {  	[tilespmem:s8+$0x3C20] =	vst v0;
	(pc) =	sbr.rel @p1 .LBB2_2-.Ltmp0, $4  }
0x29: {  	[tilespmem:s8+$0x3C30] =	vst v0  }
0x2a: {  	[tilespmem:s8+$0x3C40] =	vst v0  }
0x2b: {  	[tilespmem:s8+$0x3C50] =	vst v0  }
0x2c: {  	[tilespmem:s8+$0x3C60] =	vst v0;
	s8 =	sshra.s32 s9, $0x2;
	s9 =	sadd.s32 $0x200, s9  }
0x2d: {  	[tilespmem:s8+$0x3C70] =	vst v0  }
0x2e: {  	[tilespmem:s8+$0x3C00] =	vst v0  }
0x2f: {  	[tilespmem:s8+$0x3C10] =	vst v0  }
0x30: {  	[tilespmem:s8+$0x3C20] =	vst v0  }
0x31: {  	[tilespmem:s8+$0x3C30] =	vst v0  }
0x32: {  	[tilespmem:s8+$0x3C40] =	vst v0  }
0x33: {  	[tilespmem:s8+$0x3C50] =	vst v0  }
0x34: {  	[tilespmem:s8+$0x3C60] =	vst v0  }
0x35: {  	[spmem:s11] =	stream.linear.scatter [tilespmem:s26], [sflag:$0x3], $0x2800, $0x38;
	[tilespmem:$0x1F480] =	vst v63  }
0x36: {  	_ =	swait.ge [sflag:s28], $0x2800  }
0x37: {  	[sflag:s28] =	ssyncset.done $0x0  }
0x38: {  	[sflag:s28] =	ssyncadd.s32 $0xFFFFD800  }
0x39: {  	[spmem:s12] =	stream.linear.scatter [tilespmem:s26], [sflag:$0x3], $0x2800, $0x38;
	[tilespmem:$0x1F480] =	vst v63  }
0x3a: {  	_ =	swait.ge [sflag:s28], $0x2800  }
0x3b: {  	[sflag:s28] =	ssyncset.done $0x0  }
0x3c: {  	[sflag:s28] =	ssyncadd.s32 $0xFFFFD800  }
0x3d: {  	[spmem:s13] =	stream.linear.scatter [tilespmem:s26], [sflag:$0x3], $0x2800, $0x38;
	[tilespmem:$0x1F480] =	vst v63  }
0x3e: {  	_ =	swait.ge [sflag:s28], $0x2800  }
0x3f: {  	[sflag:s28] =	ssyncset.done $0x0  }
0x40: {  	[sflag:s28] =	ssyncadd.s32 $0xFFFFD800  }
0x41: {  	[spmem:s14] =	stream.linear.scatter [tilespmem:s26], [sflag:$0x3], $0x2800, $0x38;
	[tilespmem:$0x1F480] =	vst v63  }
0x42: {  	_ =	swait.ge [sflag:s28], $0x2800  }
0x43: {  	[sflag:s28] =	ssyncset.done $0x0  }
0x44: {  	[sflag:s28] =	ssyncadd.s32 $0xFFFFD800  }
0x45: {  	[spmem:s17] =	stream.linear.scatter [tilespmem:s26], [sflag:$0x3], $0x2800, $0x38;
	[tilespmem:$0x1F480] =	vst v63  }
0x46: {  	_ =	swait.ge [sflag:s28], $0x2800  }
0x47: {  	[sflag:s28] =	ssyncset.done $0x0  }
0x48: {  	[sflag:s28] =	ssyncadd.s32 $0xFFFFD800  }
0x49: {  	[spmem:s18] =	stream.linear.scatter [tilespmem:s26], [sflag:$0x3], $0x2800, $0x38;
	[tilespmem:$0x1F480] =	vst v63  }
0x4a: {  	_ =	swait.ge [sflag:s28], $0x2800  }
0x4b: {  	[sflag:s28] =	ssyncset.done $0x0  }
0x4c: {  	s24 =	smov.u32 s18;
	s18 =	rddreg [dreg:$0xd];
	[sflag:s28] =	ssyncadd.s32 $0xFFFFD800  }
0x4d: {  	[spmem:s18] =	stream.linear.scatter [tilespmem:s26], [sflag:$0x3], $0x2800, $0x38;
	[tilespmem:$0x1F480] =	vst v63  }
0x4e: {  	_ =	swait.ge [sflag:s28], $0x2800  }
0x4f: {  	[sflag:s28] =	ssyncset.done $0x0  }
0x50: {  	s8 =	simm.s32 @!p0 $0x3C00;
	[sflag:s28] =	ssyncadd.s32 $0xFFFFD800  }
0x51: {  	[spmem:s25] =	stream.linear.scatter @!p0 [tilespmem:s8], [sflag:$0x3], $0x2800, $0x38;
	[tilespmem:$0x1F480] =	vst v63  }
0x52: {  	s8 =	simm.s32 @!p0 $0x3  }
0x53: {  	s19 =	smov.u32 s11;
	s20 =	smov.u32 s12;
	_ =	swait.ge @!p0 [sflag:s8], $0x2800  }
0x54: {  	s21 =	smov.u32 s13;
	s22 =	smov.u32 s14;
	[sflag:s8] =	ssyncset.done @!p0 $0x0  }
0x55: {  	s23 =	smov.u32 s17;
	p2 =	por $0x1, $0x1;
	[sflag:s8] =	ssyncadd.s32 @!p0 $0xFFFFD800  }
0x56: {  	s9 =	simm.s32 $0x0;
	s8 =	simm.s32 $0x0;
	[bflag:$0x0] =	sbarrier.arrive $0xFFFF  }
.LBB2_4:
0x57: {  	s9 =	sadd.s32 s5, s9  }
0x58: {  	s9 =	sshll.u32 s9, $0x4  }
0x59: {  	s10 =	sadd.s32 s6, s9  }
0x5a: {  	[tilespmem:s8], [sflag:$0x3] =	stream.linear.gather [hbm4b:s10+s8], $0x1400, $0x38;
	[tilespmem:$0x1F480] =	vst v63  }
0x5b: {  	_ =	swait.ge [sflag:s28], $0x1400  }
0x5c: {  	[sflag:s28] =	ssyncset.done $0x0  }
0x5d: {  	s18 =	sadd.s32 s15, s9;
	[sflag:s28] =	ssyncadd.s32 $0xFFFFEC00  }
0x5e: {  	[tilespmem:s29], [sflag:$0x3] =	stream.linear.gather [hbm4b:s18+s8], $0x1400, $0x38;
	[tilespmem:$0x1F480] =	vst v63  }
0x5f: {  	_ =	swait.ge [sflag:s28], $0x1400  }
0x60: {  	[sflag:s28] =	ssyncset.done $0x0  }
0x61: {  	s9 =	sadd.s32 s16, s9;
	[sflag:s28] =	ssyncadd.s32 $0xFFFFEC00  }
0x62: {  	[tilespmem:s30], [sflag:$0x3] =	stream.linear.gather [hbm4b:s9+s8], $0x1400, $0x38;
	[tilespmem:$0x1F480] =	vst v63  }
0x63: {  	_ =	swait.ge [sflag:s28], $0x1400  }
0x64: {  	[sflag:s28] =	ssyncset.done $0x0  }
0x65: {  	p1 =	por p2, p2;
	s9 =	simm.s32 $0x0;
	[sflag:s28] =	ssyncadd.s32 $0xFFFFEC00  }
0x66: {  	[tilespmem:s26], [sflag:$0x1] =	stream.indirect.gather [hbm4b:s1+s31], $0x80, s8, s31, $0xb8;
	[tilespmem:$0x1F480] =	vst v63  }
.LBB2_5:
0x67: {  	_ =	swait.ge [sflag:s2], $0x4000  }
0x68: {  	s10 =	sshllo.u32 s9, $0x1;
	[sflag:s2] =	ssyncset.done $0x0  }
0x69: {  	s11 =	simm.s32 $0x3D00;
	s10 =	sshll.u32 s10, $0x7;
	[sflag:s2] =	ssyncadd.s32 $0xFFFFC000  }
0x6a: {  	[tilespmem:s0], [sflag:$0x2] =	stream.indirect.gather [hbm4b:s1+s31], $0x80, s10, s31, $0xb8;
	[tilespmem:$0x1F480] =	vst v63  }
0x6b: {  	v5 =	vld [tilespmem:s11+$0xFFFFFFF0]  }
0x6c: {  	v4 =	vld [tilespmem:s11+$0xF0]  }
0x6d: {  	v6 =	vld [tilespmem:s11+$0xB0]  }
0x6e: {  	v7 =	vld [tilespmem:s11+$0xFFFFFF40]  }
0x6f: {  	v8 =	vld [tilespmem:s11+$0x40]  }
0x70: {  	s13 =	simm.s32 $0x1;
	v9 =	vld [tilespmem:s11+$0xC0]  }
0x71: {  	s12 =	sshll.u32 s9, $0x8;
	v2 =	vmov s13;
	v10 =	vld [tilespmem:s11+$0xFFFFFF50]  }
0x72: {  	s14 =	simm.s32 $0x2;
	v1 =	vmov s12;
	v2 =	vand.u32 $0x7D, v2;
	v12 =	vld [tilespmem:s11+$0xFFFFFFD0]  }
0x73: {  	v11 =	vmov s14;
	v2 =	vor.u32 v1, v2;
	v14 =	vld [tilespmem:s11+$0x50]  }
0x74: {  	s18 =	simm.s32 $0x3;
	v11 =	vand.u32 $0x7E, v11;
	v2 =	vbroadcast v2, $0x0;
	v15 =	vld [tilespmem:s11+$0xD0]  }
0x75: {  	s17 =	simm.s32 $0x0;
	v13 =	vmov s18;
	v11 =	vor.u32 v1, v11;
	v16 =	vld [tilespmem:s11+$0xFFFFFF60]  }
0x76: {  	v3 =	vmov s17;
	v13 =	vand.u32 $0x7F, v13;
	v11 =	vbroadcast v11, $0x0;
	v17 =	vld [tilespmem:s11+$0xFFFFFFE0]  }
0x77: {  	v3 =	vand.u32 $0x7C, v3;
	v13 =	vor.u32 v1, v13;
	v19 =	vld [tilespmem:s11+$0x60]  }
0x78: {  	v3 =	vor.u32 v1, v3;
	v13 =	vbroadcast v13, $0x0;
	v20 =	vld [tilespmem:s11+$0xE0]  }
0x79: {  	v18 =	vbroadcast v3, $0x0;
	v21 =	vld [tilespmem:s11+$0xFFFFFF70]  }
0x7a: {  	v3 =	vld.idx.msk [tilespmem:v2+s30+$0x0], $0xffff  }
0x7b: {  	v23 =	vld [tilespmem:s11+$0xFFFFFF30]  }
0x7c: {  	v2 =	vld.idx.msk [tilespmem:v11+s30+$0x0], $0xffff  }
0x7d: {  	v24 =	vld [tilespmem:s11+$0xA0]  }
0x7e: {  	v22 =	vld.idx.msk [tilespmem:v13+s30+$0x0], $0xffff  }
0x7f: {  	v18 =	vld.idx.msk [tilespmem:v18+s30+$0x0], $0xffff;
	v12 =	vmul.f32 v12, v3  }
0x80: {  	v25 =	vld [tilespmem:s11+$0x10];
	v17 =	vmul.f32 v17, v3  }
0x81: {  	v26 =	vld [tilespmem:s11+$0xFFFFFF10];
	v14 =	vmul.f32 v14, v2;
	[tilespmem:s11+$0xFFFFFFD0] =	vst v12  }
0x82: {  	v27 =	vld [tilespmem:s11+$0x80];
	v8 =	vmul.f32 v8, v2;
	[tilespmem:s11+$0xFFFFFFE0] =	vst v17  }
0x83: {  	v11 =	vld [tilespmem:s11+$0x30];
	v6 =	vmul.f32 v6, v22;
	[tilespmem:s11+$0x50] =	vst v14  }
0x84: {  	v63 =	vld [tilespmem:s11+$0xFFFFFF00];
	v7 =	vmul.f32 v7, v18;
	[tilespmem:s11+$0x40] =	vst v8  }
0x85: {  	v13 =	vld [tilespmem:s11+$0xFFFFFFB0];
	v5 =	vmul.f32 v5, v3;
	[tilespmem:s11+$0xB0] =	vst v6  }
0x86: {  	v12 =	vld [tilespmem:s11+$0x20];
	v8 =	vmul.f32 v9, v22;
	[tilespmem:s11+$0xFFFFFF40] =	vst v7  }
0x87: {  	v23 =	vmul.f32 v23, v18;
	v17 =	vld [tilespmem:s11+$0xFFFFFFA0];
	v6 =	vmul.f32 v10, v18;
	[tilespmem:s11+$0xFFFFFFF0] =	vst v5  }
0x88: {  	v14 =	vld [tilespmem:s11+$0x90];
	v7 =	vmul.f32 v4, v22;
	v10 =	vmul.f32 v11, v2;
	[tilespmem:s11+$0xC0] =	vst v8  }
0x89: {  	v9 =	vld [tilespmem:s11+$0xFFFFFF20];
	v4 =	vmul.f32 v16, v18;
	v8 =	vmul.f32 v15, v22;
	[tilespmem:s11+$0xFFFFFF50] =	vst v6  }
0x8a: {  	v11 =	vld [tilespmem:s11+$0xFFFFFF90];
	v15 =	vmul.f32 v20, v22;
	[tilespmem:s11+$0x30] =	vst v10;
	v20 =	vmul.f32 v13, v3  }
0x8b: {  	v6 =	vld [tilespmem:s11+$0x0];
	v13 =	vmul.f32 v19, v2;
	v10 =	vmul.f32 v24, v22;
	[tilespmem:s11+$0xF0] =	vst v7  }
0x8c: {  	v19 =	vmul.f32 v21, v18;
	v7 =	vmul.f32 v63, v18;
	[tilespmem:s11+$0xD0] =	vst v8;
	v8 =	vld [tilespmem:s11+$0xFFFFFF80]  }
0x8d: {  	[tilespmem:s11+$0x60] =	vst v13;
	v12 =	vmul.f32 v12, v2;
	v16 =	vmul.f32 v17, v3  }
0x8e: {  	[tilespmem:s11+$0xFFFFFF70] =	vst v19;
	v19 =	vld [tilespmem:s11+$0xFFFFFFC0];
	v13 =	vmul.f32 v9, v18;
	v17 =	vmul.f32 v14, v22  }
0x8f: {  	[tilespmem:s11+$0xE0] =	vst v15;
	v14 =	vmul.f32 v25, v2;
	v15 =	vmul.f32 v11, v3  }
0x90: {  	[tilespmem:s11+$0xFFFFFF30] =	vst v23;
	v11 =	vmul.f32 v26, v18;
	v9 =	vmul.f32 v27, v22  }
0x91: {  	s12 =	simm.s32 $0x4;
	s13 =	simm.s32 $0x3F00;
	[tilespmem:s11+$0xFFFFFFB0] =	vst v20;
	v18 =	vld [tilespmem:s11+$0x70];
	v6 =	vmul.f32 v6, v2;
	v8 =	vmul.f32 v8, v3  }
.LBB2_6:
0x92: {  	v20 =	vmov s12;
	s14 =	sadd.s32 $0x1, s12;
	s17 =	sadd.s32 $0x2, s12;
	s18 =	sadd.s32 $0x3, s12;
	v5 =	vld [tilespmem:s13+$0xFFFFFFF0];
	[tilespmem:s11+$0xA0] =	vst v10  }
0x93: {  	p2 =	sne.s32 s12, $0x7C;
	s12 =	sadd.s32 $0x4, s12;
	v10 =	vmov s14;
	v21 =	vmov s17;
	v22 =	vld [tilespmem:s13+$0xF0];
	[tilespmem:s11+$0x20] =	vst v12;
	v3 =	vmul.f32 v19, v3  }
0x94: {  	v12 =	vand.u32 $0x7C, v20;
	v10 =	vand.u32 $0x7D, v10;
	v19 =	vand.u32 $0x7E, v21;
	v20 =	vld [tilespmem:s13+$0xB0];
	[tilespmem:s11+$0xFFFFFFA0] =	vst v16  }
0x95: {  	v10 =	vor.u32 v1, v10;
	v16 =	vor.u32 v1, v19;
	v19 =	vmov s18;
	v21 =	vld [tilespmem:s13+$0xFFFFFF40];
	[tilespmem:s11+$0xFFFFFF20] =	vst v13  }
0x96: {  	v10 =	vbroadcast v10, $0x0;
	v13 =	vand.u32 $0x7F, v19;
	v19 =	vld [tilespmem:s13+$0x40];
	[tilespmem:s11+$0x90] =	vst v17;
	v2 =	vmul.f32 v18, v2  }
0x97: {  	v16 =	vbroadcast v16, $0x0;
	v13 =	vor.u32 v1, v13;
	v17 =	vld [tilespmem:s13+$0xC0];
	[tilespmem:s11+$0x10] =	vst v14  }
0x98: {  	v12 =	vor.u32 v1, v12;
	v13 =	vbroadcast v13, $0x0;
	v14 =	vld [tilespmem:s13+$0xFFFFFF50];
	[tilespmem:s11+$0xFFFFFF90] =	vst v15  }
0x99: {  	v12 =	vbroadcast v12, $0x0;
	v15 =	vld [tilespmem:s13+$0xFFFFFFD0];
	[tilespmem:s11+$0xFFFFFF10] =	vst v11  }
0x9a: {  	v11 =	vld [tilespmem:s13+$0x50];
	[tilespmem:s11+$0xFFFFFFC0] =	vst v3  }
0x9b: {  	v18 =	vld [tilespmem:s13+$0xD0];
	[tilespmem:s11+$0xFFFFFF60] =	vst v4  }
0x9c: {  	v4 =	vld [tilespmem:s13+$0xFFFFFF60];
	[tilespmem:s11+$0x80] =	vst v9  }
0x9d: {  	v9 =	vld [tilespmem:s13+$0xFFFFFFE0];
	[tilespmem:s11+$0x70] =	vst v2  }
0x9e: {  	v23 =	vld [tilespmem:s13+$0x60];
	[tilespmem:s11+$0x0] =	vst v6  }
0x9f: {  	v6 =	vld [tilespmem:s13+$0xE0];
	[tilespmem:s11+$0xFFFFFF80] =	vst v8  }
0xa0: {  	v8 =	vld [tilespmem:s13+$0xFFFFFF70];
	[tilespmem:s11+$0xFFFFFF00] =	vst v7;
	s11 =	smov.u32 s13  }
0xa1: {  	v3 =	vld.idx.msk [tilespmem:v10+s30+$0x0], $0xffff  }
0xa2: {  	v2 =	vld.idx.msk [tilespmem:v16+s30+$0x0], $0xffff  }
0xa3: {  	v7 =	vld.idx.msk [tilespmem:v13+s30+$0x0], $0xffff  }
0xa4: {  	v24 =	vld.idx.msk [tilespmem:v12+s30+$0x0], $0xffff  }
0xa5: {  	v12 =	vld [tilespmem:s13+$0x30]  }
0xa6: {  	v10 =	vld [tilespmem:s13+$0xFFFFFFB0]  }
0xa7: {  	v15 =	vmul.f32 v15, v3;
	v9 =	vmul.f32 v9, v3;
	v13 =	vld [tilespmem:s13+$0xFFFFFF30]  }
0xa8: {  	v19 =	vmul.f32 v19, v2;
	v11 =	vmul.f32 v11, v2;
	v16 =	vld [tilespmem:s13+$0xA0]  }
0xa9: {  	v20 =	vmul.f32 v20, v7;
	v22 =	vmul.f32 v22, v7;
	v25 =	vld [tilespmem:s13+$0x20];
	[tilespmem:s13+$0xFFFFFFD0] =	vst v15  }
0xaa: {  	v17 =	vmul.f32 v17, v7;
	v21 =	vmul.f32 v21, v24;
	v15 =	vld [tilespmem:s13+$0xFFFFFFA0];
	[tilespmem:s13+$0xFFFFFFE0] =	vst v9  }
0xab: {  	v14 =	vmul.f32 v14, v24;
	v4 =	vmul.f32 v4, v24;
	v9 =	vld [tilespmem:s13+$0xFFFFFF20];
	[tilespmem:s13+$0x50] =	vst v11  }
0xac: {  	v27 =	vmul.f32 v10, v3;
	v11 =	vld [tilespmem:s13+$0x90];
	v26 =	vmul.f32 v13, v24;
	[tilespmem:s13+$0x40] =	vst v19  }
0xad: {  	v28 =	vmul.f32 v12, v2;
	v19 =	vld [tilespmem:s13+$0x10];
	v10 =	vmul.f32 v16, v7;
	[tilespmem:s13+$0xB0] =	vst v20  }
0xae: {  	v20 =	vld [tilespmem:s13+$0xFFFFFF90];
	v12 =	vmul.f32 v25, v2;
	[tilespmem:s13+$0xFFFFFF40] =	vst v21;
	v21 =	vmul.f32 v8, v24  }
0xaf: {  	v8 =	vld [tilespmem:s13+$0xFFFFFF10];
	v16 =	vmul.f32 v15, v3;
	[tilespmem:s13+$0xC0] =	vst v17;
	v15 =	vmul.f32 v18, v7  }
0xb0: {  	v6 =	vmul.f32 v6, v7;
	v18 =	vld [tilespmem:s13+$0x80];
	v13 =	vmul.f32 v9, v24;
	[tilespmem:s13+$0xFFFFFF50] =	vst v14  }
0xb1: {  	v9 =	vmul.f32 v23, v2;
	v25 =	vld [tilespmem:s13+$0x0];
	v17 =	vmul.f32 v11, v7;
	[tilespmem:s13+$0x30] =	vst v28  }
0xb2: {  	v5 =	vmul.f32 v5, v3;
	v23 =	vld [tilespmem:s13+$0xFFFFFF80];
	v14 =	vmul.f32 v19, v2;
	[tilespmem:s13+$0xD0] =	vst v15  }
0xb3: {  	v28 =	vld [tilespmem:s13+$0xFFFFFF00];
	v15 =	vmul.f32 v20, v3;
	[tilespmem:s13+$0xE0] =	vst v6  }
0xb4: {  	v11 =	vmul.f32 v8, v24;
	[tilespmem:s13+$0x60] =	vst v9  }
.Ltmp1:
0xb5: {  	v9 =	vmul.f32 v18, v7;
	[tilespmem:s13+$0xFFFFFFF0] =	vst v5;
	(pc) =	sbr.rel @p2 .LBB2_6-.Ltmp1, $4  }
0xb6: {  	v6 =	vmul.f32 v25, v2;
	[tilespmem:s13+$0xFFFFFFB0] =	vst v27;
	v19 =	vld [tilespmem:s13+$0xFFFFFFC0]  }
0xb7: {  	v8 =	vmul.f32 v23, v3;
	[tilespmem:s13+$0xFFFFFF70] =	vst v21  }
0xb8: {  	v7 =	vmul.f32 v28, v24;
	[tilespmem:s13+$0xF0] =	vst v22  }
0xb9: {  	s13 =	sadd.s32 $0x200, s13;
	[tilespmem:s11+$0xFFFFFF30] =	vst v26;
	v18 =	vld [tilespmem:s11+$0x70]  }
0xba: {  	[tilespmem:s11+$0xA0] =	vst v10  }
0xbb: {  	[tilespmem:s11+$0x20] =	vst v12  }
0xbc: {  	[tilespmem:s11+$0xFFFFFFA0] =	vst v16  }
0xbd: {  	[tilespmem:s11+$0xFFFFFF20] =	vst v13  }
0xbe: {  	[tilespmem:s11+$0x90] =	vst v17  }
0xbf: {  	[tilespmem:s11+$0x10] =	vst v14  }
0xc0: {  	[tilespmem:s11+$0xFFFFFF90] =	vst v15  }
0xc1: {  	[tilespmem:s11+$0xFFFFFF10] =	vst v11  }
0xc2: {  	[tilespmem:s11+$0xFFFFFF60] =	vst v4  }
0xc3: {  	[tilespmem:s11+$0x80] =	vst v9  }
0xc4: {  	[tilespmem:s11+$0x0] =	vst v6;
	v1 =	vmul.f32 v19, v3  }
0xc5: {  	[tilespmem:s11+$0xFFFFFF80] =	vst v8  }
0xc6: {  	s12 =	sshll.u32 s9, $0xA;
	[tilespmem:s11+$0xFFFFFFC0] =	vst v1;
	v1 =	vmul.f32 v18, v2  }
0xc7: {  	[tilespmem:s11+$0xFFFFFF00] =	vst v7;
	s13 =	sshrl.u32 s12, $0x2  }
0xc8: {  	s18 =	sadd.s32 $0x1400, s13;
	[tilespmem:s11+$0x70] =	vst v1  }
0xc9: {  	[spmem:s3] =	stream.indirect.scatter.add.f32 [tilespmem:s26], [sflag:$0x3], $0x80, s18, s31, $0xb8;
	[tilespmem:$0x1F480] =	vst v63  }
0xca: {  	p2 =	seq.s32 s9, $0x13;
	_ =	swait.ge [sflag:s28], $0x4000  }
0xcb: {  	s13 =	simm.s32 @!p2 $0x3C00;
	s11 =	sshrl.u32 @!p2 s12, $0x2;
	[sflag:s28] =	ssyncset.done $0x0  }
0xcc: {  	s12 =	simm.s32 @!p2 $0x80;
	s11 =	sadd.s32 @!p2 $0x100, s11;
	[sflag:s28] =	ssyncadd.s32 $0xFFFFC000  }
0xcd: {  	[tilespmem:s13], [sflag:$0x1] =	stream.indirect.gather @!p2 [hbm4b:s1+s12], $0x80, s11, s12, $0xb8;
	[tilespmem:$0x1F480] =	vst v63  }
0xce: {  	_ =	swait.ge [sflag:s7], $0x4000  }
0xcf: {  	[sflag:s7] =	ssyncset.done $0x0  }
0xd0: {  	s11 =	simm.s32 $0x7D00;
	[sflag:s7] =	ssyncadd.s32 $0xFFFFC000  }
0xd1: {  	v5 =	vld [tilespmem:s11+$0xFFFFFFF0]  }
0xd2: {  	v4 =	vld [tilespmem:s11+$0xF0]  }
0xd3: {  	v6 =	vld [tilespmem:s11+$0xB0]  }
0xd4: {  	v7 =	vld [tilespmem:s11+$0xFFFFFF40]  }
0xd5: {  	v8 =	vld [tilespmem:s11+$0x40]  }
0xd6: {  	s17 =	simm.s32 $0x0;
	v9 =	vld [tilespmem:s11+$0xC0]  }
0xd7: {  	v3 =	vmov s17;
	s18 =	simm.s32 $0x3;
	v10 =	vld [tilespmem:s11+$0xFFFFFF50]  }
0xd8: {  	v3 =	vand.u32 $0x7C, v3;
	v1 =	vmov s10;
	v13 =	vmov s18;
	v12 =	vld [tilespmem:s11+$0xFFFFFFD0]  }
0xd9: {  	v3 =	vor.u32 v1, v3;
	v13 =	vand.u32 $0x7F, v13;
	v14 =	vld [tilespmem:s11+$0x50]  }
0xda: {  	v18 =	vbroadcast v3, $0x0;
	v13 =	vor.u32 v1, v13;
	s13 =	simm.s32 $0x1;
	v15 =	vld [tilespmem:s11+$0xD0]  }
0xdb: {  	s14 =	simm.s32 $0x2;
	v13 =	vbroadcast v13, $0x0;
	v2 =	vmov s13;
	v16 =	vld [tilespmem:s11+$0xFFFFFF60]  }
0xdc: {  	v11 =	vmov s14;
	v2 =	vand.u32 $0x7D, v2;
	v17 =	vld [tilespmem:s11+$0xFFFFFFE0]  }
0xdd: {  	v11 =	vand.u32 $0x7E, v11;
	v2 =	vor.u32 v1, v2;
	v19 =	vld [tilespmem:s11+$0x60]  }
0xde: {  	v11 =	vor.u32 v1, v11;
	v2 =	vbroadcast v2, $0x0;
	v20 =	vld [tilespmem:s11+$0xE0]  }
0xdf: {  	v11 =	vbroadcast v11, $0x0;
	v21 =	vld [tilespmem:s11+$0xFFFFFF70]  }
0xe0: {  	v18 =	vld.idx.msk [tilespmem:v18+s30+$0x0], $0xffff  }
0xe1: {  	v22 =	vld.idx.msk [tilespmem:v13+s30+$0x0], $0xffff  }
0xe2: {  	v23 =	vld [tilespmem:s11+$0xFFFFFF30]  }
0xe3: {  	v24 =	vld [tilespmem:s11+$0xA0]  }
0xe4: {  	v3 =	vld.idx.msk [tilespmem:v2+s30+$0x0], $0xffff  }
0xe5: {  	v7 =	vmul.f32 v7, v18;
	v2 =	vld.idx.msk [tilespmem:v11+s30+$0x0], $0xffff  }
0xe6: {  	v11 =	vld [tilespmem:s11+$0x30];
	v6 =	vmul.f32 v6, v22  }
0xe7: {  	v25 =	vld [tilespmem:s11+$0x10];
	v23 =	vmul.f32 v23, v18;
	[tilespmem:s11+$0xFFFFFF40] =	vst v7  }
0xe8: {  	v27 =	vld [tilespmem:s11+$0xFFFFFF10];
	[tilespmem:s11+$0xB0] =	vst v6;
	v6 =	vmul.f32 v10, v18  }
0xe9: {  	v63 =	vld [tilespmem:s11+$0xFFFFFF00];
	[tilespmem:s11+$0xFFFFFF30] =	vst v23;
	v12 =	vmul.f32 v12, v3  }
0xea: {  	v13 =	vld [tilespmem:s11+$0xFFFFFFB0];
	v17 =	vmul.f32 v17, v3;
	[tilespmem:s11+$0xFFFFFF50] =	vst v6  }
0xeb: {  	v14 =	vmul.f32 v14, v2;
	v7 =	vmul.f32 v11, v2;
	v11 =	vld [tilespmem:s11+$0xFFFFFF90];
	[tilespmem:s11+$0xFFFFFFD0] =	vst v12  }
0xec: {  	v8 =	vmul.f32 v8, v2;
	v6 =	vld [tilespmem:s11+$0x0];
	[tilespmem:s11+$0xFFFFFFE0] =	vst v17  }
0xed: {  	v26 =	vmul.f32 v4, v22;
	v12 =	vld [tilespmem:s11+$0x20];
	[tilespmem:s11+$0x50] =	vst v14  }
0xee: {  	v4 =	vmul.f32 v16, v18;
	v17 =	vld [tilespmem:s11+$0xFFFFFFA0];
	[tilespmem:s11+$0x40] =	vst v8;
	v8 =	vmul.f32 v9, v22  }
0xef: {  	v10 =	vmul.f32 v24, v22;
	v5 =	vmul.f32 v5, v3;
	v14 =	vld [tilespmem:s11+$0x90];
	[tilespmem:s11+$0x30] =	vst v7  }
0xf0: {  	v9 =	vld [tilespmem:s11+$0xFFFFFF20];
	v7 =	vmul.f32 v13, v3;
	[tilespmem:s11+$0xC0] =	vst v8;
	v8 =	vmul.f32 v15, v22  }
0xf1: {  	[tilespmem:s11+$0xF0] =	vst v26;
	v13 =	vmul.f32 v19, v2;
	v15 =	vmul.f32 v20, v22;
	v20 =	vld [tilespmem:s11+$0x80]  }
0xf2: {  	v19 =	vmul.f32 v21, v18;
	v6 =	vmul.f32 v6, v2;
	[tilespmem:s11+$0xD0] =	vst v8;
	v8 =	vld [tilespmem:s11+$0xFFFFFF80]  }
0xf3: {  	[tilespmem:s11+$0xE0] =	vst v15;
	v15 =	vmul.f32 v11, v3;
	v11 =	vmul.f32 v27, v18  }
0xf4: {  	[tilespmem:s11+$0xFFFFFF70] =	vst v19;
	v19 =	vld [tilespmem:s11+$0xFFFFFFC0];
	v12 =	vmul.f32 v12, v2;
	v16 =	vmul.f32 v17, v3  }
0xf5: {  	[tilespmem:s11+$0x60] =	vst v13;
	v13 =	vmul.f32 v9, v18;
	v17 =	vmul.f32 v14, v22  }
0xf6: {  	[tilespmem:s11+$0xFFFFFFF0] =	vst v5;
	v14 =	vmul.f32 v25, v2;
	v9 =	vmul.f32 v63, v18  }
0xf7: {  	s12 =	simm.s32 $0x4;
	s13 =	simm.s32 $0x7F00;
	[tilespmem:s11+$0xFFFFFFB0] =	vst v7;
	v18 =	vld [tilespmem:s11+$0x70];
	v7 =	vmul.f32 v20, v22;
	v8 =	vmul.f32 v8, v3  }
.LBB2_8:
0xf8: {  	v20 =	vmov s12;
	s14 =	sadd.s32 $0x1, s12;
	s17 =	sadd.s32 $0x2, s12;
	s18 =	sadd.s32 $0x3, s12;
	v5 =	vld [tilespmem:s13+$0xFFFFFFF0];
	[tilespmem:s11+$0xA0] =	vst v10  }
0xf9: {  	p2 =	sne.s32 s12, $0x7C;
	s12 =	sadd.s32 $0x4, s12;
	v10 =	vmov s14;
	v21 =	vmov s17;
	v22 =	vld [tilespmem:s13+$0xF0];
	[tilespmem:s11+$0x20] =	vst v12;
	v3 =	vmul.f32 v19, v3  }
0xfa: {  	v12 =	vand.u32 $0x7C, v20;
	v10 =	vand.u32 $0x7D, v10;
	v19 =	vand.u32 $0x7E, v21;
	v20 =	vld [tilespmem:s13+$0xB0];
	[tilespmem:s11+$0xFFFFFFA0] =	vst v16  }
0xfb: {  	v10 =	vor.u32 v1, v10;
	v16 =	vor.u32 v1, v19;
	v19 =	vmov s18;
	v21 =	vld [tilespmem:s13+$0xFFFFFF40];
	[tilespmem:s11+$0xFFFFFF20] =	vst v13  }
0xfc: {  	v10 =	vbroadcast v10, $0x0;
	v13 =	vand.u32 $0x7F, v19;
	v19 =	vld [tilespmem:s13+$0x40];
	[tilespmem:s11+$0x90] =	vst v17;
	v2 =	vmul.f32 v18, v2  }
0xfd: {  	v16 =	vbroadcast v16, $0x0;
	v13 =	vor.u32 v1, v13;
	v17 =	vld [tilespmem:s13+$0xC0];
	[tilespmem:s11+$0x10] =	vst v14  }
0xfe: {  	v12 =	vor.u32 v1, v12;
	v13 =	vbroadcast v13, $0x0;
	v14 =	vld [tilespmem:s13+$0xFFFFFF50];
	[tilespmem:s11+$0xFFFFFF90] =	vst v15  }
0xff: {  	v12 =	vbroadcast v12, $0x0;
	v15 =	vld [tilespmem:s13+$0xFFFFFFD0];
	[tilespmem:s11+$0xFFFFFF10] =	vst v11  }
0x100: {  	v11 =	vld [tilespmem:s13+$0x50];
	[tilespmem:s11+$0xFFFFFFC0] =	vst v3  }
0x101: {  	v18 =	vld [tilespmem:s13+$0xD0];
	[tilespmem:s11+$0xFFFFFF60] =	vst v4  }
0x102: {  	v4 =	vld [tilespmem:s13+$0xFFFFFF60];
	[tilespmem:s11+$0x80] =	vst v7  }
0x103: {  	v7 =	vld [tilespmem:s13+$0xFFFFFFE0];
	[tilespmem:s11+$0x70] =	vst v2  }
0x104: {  	v23 =	vld [tilespmem:s13+$0x60];
	[tilespmem:s11+$0x0] =	vst v6  }
0x105: {  	v6 =	vld [tilespmem:s13+$0xE0];
	[tilespmem:s11+$0xFFFFFF80] =	vst v8  }
0x106: {  	v8 =	vld [tilespmem:s13+$0xFFFFFF70];
	[tilespmem:s11+$0xFFFFFF00] =	vst v9;
	s11 =	smov.u32 s13  }
0x107: {  	v3 =	vld.idx.msk [tilespmem:v10+s30+$0x0], $0xffff  }
0x108: {  	v2 =	vld.idx.msk [tilespmem:v16+s30+$0x0], $0xffff  }
0x109: {  	v9 =	vld.idx.msk [tilespmem:v13+s30+$0x0], $0xffff  }
0x10a: {  	v24 =	vld.idx.msk [tilespmem:v12+s30+$0x0], $0xffff  }
0x10b: {  	v12 =	vld [tilespmem:s13+$0x30]  }
0x10c: {  	v10 =	vld [tilespmem:s13+$0xFFFFFFB0]  }
0x10d: {  	v15 =	vmul.f32 v15, v3;
	v7 =	vmul.f32 v7, v3;
	v13 =	vld [tilespmem:s13+$0xFFFFFF30]  }
0x10e: {  	v19 =	vmul.f32 v19, v2;
	v11 =	vmul.f32 v11, v2;
	v16 =	vld [tilespmem:s13+$0xA0]  }
0x10f: {  	v20 =	vmul.f32 v20, v9;
	v22 =	vmul.f32 v22, v9;
	v25 =	vld [tilespmem:s13+$0x20];
	[tilespmem:s13+$0xFFFFFFD0] =	vst v15  }
0x110: {  	v17 =	vmul.f32 v17, v9;
	v21 =	vmul.f32 v21, v24;
	v15 =	vld [tilespmem:s13+$0xFFFFFFA0];
	[tilespmem:s13+$0xFFFFFFE0] =	vst v7  }
0x111: {  	v14 =	vmul.f32 v14, v24;
	v4 =	vmul.f32 v4, v24;
	v7 =	vld [tilespmem:s13+$0xFFFFFF20];
	[tilespmem:s13+$0x50] =	vst v11  }
0x112: {  	v27 =	vmul.f32 v10, v3;
	v11 =	vld [tilespmem:s13+$0x90];
	v26 =	vmul.f32 v13, v24;
	[tilespmem:s13+$0x40] =	vst v19  }
0x113: {  	v28 =	vmul.f32 v12, v2;
	v19 =	vld [tilespmem:s13+$0x10];
	v10 =	vmul.f32 v16, v9;
	[tilespmem:s13+$0xB0] =	vst v20  }
0x114: {  	v20 =	vld [tilespmem:s13+$0xFFFFFF90];
	v12 =	vmul.f32 v25, v2;
	[tilespmem:s13+$0xFFFFFF40] =	vst v21;
	v21 =	vmul.f32 v8, v24  }
0x115: {  	v8 =	vld [tilespmem:s13+$0xFFFFFF10];
	v16 =	vmul.f32 v15, v3;
	[tilespmem:s13+$0xC0] =	vst v17;
	v15 =	vmul.f32 v18, v9  }
0x116: {  	v6 =	vmul.f32 v6, v9;
	v18 =	vld [tilespmem:s13+$0x80];
	v13 =	vmul.f32 v7, v24;
	[tilespmem:s13+$0xFFFFFF50] =	vst v14  }
0x117: {  	v7 =	vmul.f32 v23, v2;
	v25 =	vld [tilespmem:s13+$0x0];
	v17 =	vmul.f32 v11, v9;
	[tilespmem:s13+$0x30] =	vst v28  }
0x118: {  	v5 =	vmul.f32 v5, v3;
	v23 =	vld [tilespmem:s13+$0xFFFFFF80];
	v14 =	vmul.f32 v19, v2;
	[tilespmem:s13+$0xD0] =	vst v15  }
0x119: {  	v28 =	vld [tilespmem:s13+$0xFFFFFF00];
	v15 =	vmul.f32 v20, v3;
	[tilespmem:s13+$0xE0] =	vst v6  }
0x11a: {  	v11 =	vmul.f32 v8, v24;
	[tilespmem:s13+$0x60] =	vst v7  }
.Ltmp2:
0x11b: {  	v7 =	vmul.f32 v18, v9;
	[tilespmem:s13+$0xFFFFFFF0] =	vst v5;
	(pc) =	sbr.rel @p2 .LBB2_8-.Ltmp2, $4  }
0x11c: {  	v6 =	vmul.f32 v25, v2;
	[tilespmem:s13+$0xFFFFFFB0] =	vst v27;
	v19 =	vld [tilespmem:s13+$0xFFFFFFC0]  }
0x11d: {  	v8 =	vmul.f32 v23, v3;
	[tilespmem:s13+$0xFFFFFF70] =	vst v21  }
0x11e: {  	v9 =	vmul.f32 v28, v24;
	[tilespmem:s13+$0xF0] =	vst v22  }
0x11f: {  	s13 =	sadd.s32 $0x200, s13;
	[tilespmem:s11+$0xFFFFFF30] =	vst v26;
	v18 =	vld [tilespmem:s11+$0x70]  }
0x120: {  	[tilespmem:s11+$0xA0] =	vst v10  }
0x121: {  	[tilespmem:s11+$0x20] =	vst v12  }
0x122: {  	[tilespmem:s11+$0xFFFFFFA0] =	vst v16  }
0x123: {  	[tilespmem:s11+$0xFFFFFF20] =	vst v13  }
0x124: {  	[tilespmem:s11+$0x90] =	vst v17  }
0x125: {  	[tilespmem:s11+$0x10] =	vst v14  }
0x126: {  	[tilespmem:s11+$0xFFFFFF90] =	vst v15  }
0x127: {  	[tilespmem:s11+$0xFFFFFF10] =	vst v11  }
0x128: {  	[tilespmem:s11+$0xFFFFFF60] =	vst v4  }
0x129: {  	[tilespmem:s11+$0x80] =	vst v7  }
0x12a: {  	[tilespmem:s11+$0x0] =	vst v6;
	v1 =	vmul.f32 v19, v3  }
0x12b: {  	[tilespmem:s11+$0xFFFFFF80] =	vst v8  }
0x12c: {  	s9 =	sadd.s32 $0x1, s9;
	[tilespmem:s11+$0xFFFFFFC0] =	vst v1;
	v1 =	vmul.f32 v18, v2  }
0x12d: {  	[tilespmem:s11+$0xFFFFFF00] =	vst v9;
	p2 =	sne.s32 s9, $0x14  }
.Ltmp3:
0x12e: {  	s10 =	sadd.s32 $0x1400, s10;
	[tilespmem:s11+$0x70] =	vst v1;
	(pc) =	sbr.rel @p2 .LBB2_5-.Ltmp3, $4  }
0x12f: {  	[spmem:s3] =	stream.indirect.scatter.add.f32 [tilespmem:s0], [sflag:$0x3], $0x80, s10, s31, $0xb8;
	[tilespmem:$0x1F480] =	vst v63  }
0x130: {  	_ =	swait.ge [sflag:s28], $0x4000  }
0x131: {  	[sflag:s28] =	ssyncset.done $0x0  }
0x132: {  	[sflag:s28] =	ssyncadd.s32 $0xFFFFC000  }
.Ltmp4:
0x133: {  	(pc) =	sbr.rel @p1 .LBB2_4-.Ltmp4, $2  }
0x134: {  	_ =	sdelay $0x2  }
0x135: {  	s9 =	simm.s32 $0x28;
	p2 =	por $0x0, $0x0  }
0x136: {  	s8 =	stileid.u32  }
0x137: {  	[bflag:$0x0] =	sbarrier.arrive $0xFFFF;
	s8 =	sshll.u32 s8, $0x6  }
0x138: {  	s9 =	sshrl.u32 s19, $0x3;
	s10 =	rddreg [dreg:$0x4];
	s8 =	sor.u32 $0x1C03, s8  }
0x139: {  	[hbm:s10], [sflag:s8] =	dma.local [spmem:s9], $0x500  }
0x13a: {  	_ =	swait.ge [sflag:s28], $0x500  }
0x13b: {  	s11 =	smov.u32 s19;
	[sflag:s28] =	ssyncset.done $0x0  }
0x13c: {  	s18 =	sshrl.u32 s20, $0x3;
	s19 =	rddreg [dreg:$0x5];
	[sflag:s28] =	ssyncadd.s32 $0xFFFFFB00  }
0x13d: {  	[hbm:s19], [sflag:s8] =	dma.local [spmem:s18], $0x500  }
0x13e: {  	_ =	swait.ge [sflag:s28], $0x500  }
0x13f: {  	s12 =	smov.u32 s20;
	s13 =	smov.u32 s21;
	[sflag:s28] =	ssyncset.done $0x0  }
0x140: {  	s20 =	sshrl.u32 s21, $0x3;
	s21 =	rddreg [dreg:$0x6];
	[sflag:s28] =	ssyncadd.s32 $0xFFFFFB00  }
0x141: {  	[hbm:s21], [sflag:s8] =	dma.local [spmem:s20], $0x500  }
0x142: {  	_ =	swait.ge [sflag:s28], $0x500  }
0x143: {  	[sflag:s28] =	ssyncset.done $0x0  }
0x144: {  	s10 =	sshrl.u32 s22, $0x3;
	s17 =	rddreg [dreg:$0x7];
	[sflag:s28] =	ssyncadd.s32 $0xFFFFFB00  }
0x145: {  	[hbm:s17], [sflag:s8] =	dma.local [spmem:s10], $0x500  }
0x146: {  	_ =	swait.ge [sflag:s28], $0x500  }
0x147: {  	[sflag:s28] =	ssyncset.done $0x0  }
0x148: {  	s18 =	sshrl.u32 s23, $0x3;
	s19 =	rddreg [dreg:$0x8];
	[sflag:s28] =	ssyncadd.s32 $0xFFFFFB00  }
0x149: {  	[hbm:s19], [sflag:s8] =	dma.local [spmem:s18], $0x500  }
0x14a: {  	_ =	swait.ge [sflag:s28], $0x500  }
0x14b: {  	[sflag:s28] =	ssyncset.done $0x0  }
0x14c: {  	s20 =	sshrl.u32 s24, $0x3;
	s21 =	rddreg [dreg:$0x9];
	[sflag:s28] =	ssyncadd.s32 $0xFFFFFB00  }
0x14d: {  	[hbm:s21], [sflag:s8] =	dma.local [spmem:s20], $0x500  }
0x14e: {  	s14 =	smov.u32 s22;
	_ =	swait.ge [sflag:s28], $0x500  }
0x14f: {  	s17 =	smov.u32 s23;
	[sflag:s28] =	ssyncset.done $0x0;
	s22 =	rddreg [dreg:$0xd]  }
0x150: {  	s23 =	rddreg [dreg:$0xa];
	[sflag:s28] =	ssyncadd.s32 $0xFFFFFB00;
	s9 =	sshrl.u32 s22, $0x3  }
0x151: {  	[hbm:s23], [sflag:s8] =	dma.local [spmem:s9], $0x500  }
0x152: {  	_ =	swait.ge [sflag:s28], $0x500  }
0x153: {  	[sflag:s28] =	ssyncset.done $0x0  }
0x154: {  	s9 =	sshrl.u32 @!p0 s25, $0x3;
	s10 =	rddreg [dreg:$0xb];
	[sflag:s28] =	ssyncadd.s32 $0xFFFFFB00  }
0x155: {  	[hbm:s10], [sflag:s8] =	dma.local @!p0 [spmem:s9], $0x500  }
0x156: {  	s8 =	simm.s32 @!p0 $0x3  }
0x157: {  	_ =	swait.ge @!p0 [sflag:s8], $0x500  }
0x158: {  	s4 =	sadd.s32 $0x1, s4;
	s18 =	smov.u32 s24;
	s24 =	rddreg [dreg:$0xc]  }
0x159: {  	p1 =	sne.s32 s4, s24  }
.Ltmp5:
0x15a: {  	_ = 	snop;
	(pc) =	sbr.rel @p1 .LBB2_1-.Ltmp5, $3  }
0x15b: {  	_ =	sdelay $0x1  }
0x15c: {  	[sflag:s8] =	ssyncset.done @!p0 $0x0  }
0x15d: {  	[sflag:s8] =	ssyncadd.s32 @!p0 $0xFFFFFB00  }
0x15e: {  	_ =	sfence.sel $0x180000  }
0x15f: {  	[bflag:$0x0] =	sbarrier.arrive $0xFFFF  }
0x160: {  	_ =	strace $0x9000004A  }
0x161: {  	s0 =	stileid.u32;
	[bflag:$0x2] =	sbarrier.arrive $0xFFFF  }
0x162: {  	p0 =	sne.s32 s0, $0x0;
	s0 =	rddreg [dreg:$0x3]  }
0x163: {  	s0 =	sadd.s32 @!p0 $0x100000, s0  }
0x164: {  	[sflag:s0] =	ssyncadd.tile.s32 @!p0 $0x1;
	_ =	shalt  }
.Lfunc_end2:
_tile_overlayer_lowered:
.L_overlay_start_2:
0x165: {  	(tag) =	ssettag $0x2  }
0x166: {  	s0 =	rddreg [dreg:$0x0];
	s2 =	stileid.u32  }
0x167: {  	s1 =	rddreg [dreg:$0x1];
	p0 =	sne.s32 s2, $0x0  }
0x168: {  	s3 =	rddreg [dreg:$0x2];
	[bflag:$0x3] =	sbarrier.arrive $0xFFFF;
	s2 =	simm.s32 @!p0 $0x1C03  }
0x169: {  	[timem:s3], [sflag:s2] =	dma.local @!p0 [hbm:s0], s1  }
0x16a: {  	s0 =	simm.s32 @!p0 $0x3  }
0x16b: {  	_ =	swait.ge @!p0 [sflag:s0], s1  }
0x16c: {  	s1 =	ssub.s32 @!p0 $0x0, s1;
	[sflag:s0] =	ssyncset.done @!p0 $0x0  }
0x16d: {  	[sflag:s0] =	ssyncadd.s32 @!p0 s1  }
0x16e: {  	[bflag:$0x3] =	sbarrier.arrive $0xFFFF  }
0x16f: {  	_ =	shalt  }

// kernel: kernel.7.cloned.1.call-start
scs
__scs_entry_jumppad:
0x0: {  	(pc) =	sbr.rel $0x88, $3  }
0x1: {  	(tag) =	ssettag $0x0;
	lr =	simm.s32 $0x1  }
0x2: {  	[smem:$0x3F9C] =	sst lr;
	_ =	strace $0xD0000000  }
0x3: {  	_ = 	snop  }
0x4: {  	_ = 	snop  }
0x5: {  	_ = 	snop  }
0x6: {  	_ = 	snop  }
0x7: {  	_ = 	snop  }
__scs_overlays_trampoline_lowered:
0x8: {  	[smem:$0x3FAB] =	sst s0  }
0x9: {  	[smem:$0x3FAC] =	sst s1  }
0xa: {  	[smem:$0x3FAD] =	sst s2  }
0xb: {  	[smem:$0x3FAE] =	sst s3  }
0xc: {  	[smem:$0x3FAF] =	sst s4  }
0xd: {  	[smem:$0x3FB0] =	sst s5  }
0xe: {  	[smem:$0x3FB1] =	sst s6  }
0xf: {  	[smem:$0x3FB2] =	sst s7  }
0x10: {  	[smem:$0x3FB3] =	sst s8  }
0x11: {  	[smem:$0x3FB4] =	sst s9;
	s0 =	simm.s32 @!p0 $0x0  }
0x12: {  	s1 =	sld [smem:$0x3F9A];
	s0 =	simm.s32 @p0 $0x1  }
0x13: {  	[smem:$0x3FB5] =	sst s0;
	s0 =	simm.s32 @!p1 $0x0  }
0x14: {  	s2 =	sld [smem:$0x3F99];
	s0 =	simm.s32 @p1 $0x1  }
0x15: {  	[smem:$0x3FB6] =	sst s0;
	s0 =	simm.s32 @!p2 $0x0  }
0x16: {  	s3 =	sld [smem:$0x3FDB];
	s0 =	simm.s32 @p2 $0x1  }
0x17: {  	s4 =	simm.s32 $0x1BF5;
	[smem:$0x3FB8] =	sst s0  }
0x18: {  	s0 =	sld [smem:$0x3F9B];
	_ =	swait.ge [sflag:s4], $0x0  }
0x19: {  	s7 =	sld [smem:$0x3F9C]  }
0x1a: {  	s8 =	sadd.s32 $0xFFFFE003, lr  }
0x1b: {  	s9 =	sadd.s32 $0xFFFFFEF7, lr;
	s5 =	simm.s32 $0xFFFFFFFF;
	p2 =	slt.u32 s8, $0xFFFFF086  }
0x1c: {  	p1 =	slt.u32 s9, $0xF7A;
	s5 =	simm.s32 @!p2 $0x0  }
0x1d: {  	s5 =	simm.s32 @p1 $0x1;
	p0 =	seq.s32 s7, s2  }
0x1e: {  	s7 =	smul.u32 @!p0 $0xF7A, s2;
	p2 =	seq.s32 @!p0 s5, $0x0  }
0x1f: {  	s9 =	smul.u32 $0xF7A, s1;
	s8 =	simm.s32 @!p0 $0x1BF5;
	p2 =	por !p2, p0  }
0x20: {  	[sflag:s8] =	ssyncset.s32 @!p0 $0xFFFFF086;
	s6 =	sadd.s32 @!p0 s3, s7;
	s7 =	simm.s32 @!p0 $0x108  }
0x21: {  	s3 =	sadd.s32 s3, s9;
	s6 =	sadd.s32 @!p0 $0x88, s6;
	s7 =	simm.s32 @p2 $0x1082  }
0x22: {  	[simem:s7], [sflag:s8] =	dma.local @!p0 [hbm:s6], $0xF7A  }
0x23: {  	s9 =	sor.u32 $0xD0000000, s2;
	s6 =	simm.s32 $0x108;
	_ =	swait.ge @!p0 [sflag:s8], $0x0  }
0x24: {  	s3 =	sadd.s32 $0x88, s3;
	s6 =	simm.s32 @!p1 $0x1082;
	[sflag:s4] =	ssyncset.s32 $0xFFFFF086  }
0x25: {  	[simem:s6], [sflag:s4] =	dma.local [hbm:s3], $0xF7A  }
0x26: {  	[smem:$0x3F9C] =	sst s1;
	(tag) =	ssettag s2;
	_ =	strace s9  }
0x27: {  	s1 =	sld [smem:$0x3FAC]  }
0x28: {  	s2 =	sld [smem:$0x3FAD]  }
0x29: {  	s4 =	sld [smem:$0x3FAF]  }
0x2a: {  	p0 =	seq.s32 s5, $0x0;
	s5 =	sld [smem:$0x3FB0]  }
0x2b: {  	s6 =	sld [smem:$0x3FB1]  }
0x2c: {  	s7 =	sld [smem:$0x3FB2]  }
0x2d: {  	s3 =	simm.s32 $0x108;
	s8 =	sld [smem:$0x3FB3]  }
0x2e: {  	s3 =	simm.s32 @!p0 $0x1082;
	s9 =	sld [smem:$0x3FB4]  }
0x2f: {  	lr =	sadd.s32 s0, s3;
	s0 =	sld [smem:$0x3FAB]  }
0x30: {  	s3 =	sld [smem:$0x3FAE]  }
0x31: {  	[smem:$0x3FB7] =	sst s10  }
0x32: {  	s10 =	sld [smem:$0x3FB5];
	_ =	sdelay $0x3  }
0x33: {  	p0 =	seq.s32 s10, $0x1;
	s10 =	sld [smem:$0x3FB7];
	_ =	sdelay $0x3  }
0x34: {  	[smem:$0x3FB7] =	sst s10  }
0x35: {  	s10 =	sld [smem:$0x3FB6];
	_ =	sdelay $0x3  }
0x36: {  	p1 =	seq.s32 s10, $0x1;
	s10 =	sld [smem:$0x3FB7];
	_ =	sdelay $0x3  }
0x37: {  	[smem:$0x3FB7] =	sst s10  }
0x38: {  	s10 =	sld [smem:$0x3FB8]  }
0x39: {  	_ = 	snop;
	(pc) =	sbr.ind lr, $3  }
0x3a: {  	_ = 	snop  }
0x3b: {  	_ = 	snop  }
0x3c: {  	p2 =	seq.s32 s10, $0x1;
	s10 =	sld [smem:$0x3FB7]  }
0x3d: {  	_ =	shalt  }
0x3e: {  	_ =	shalt  }
0x3f: {  	_ =	shalt  }
0x40: {  	_ =	shalt  }
0x41: {  	_ =	shalt  }
0x42: {  	_ =	shalt  }
0x43: {  	_ =	shalt  }
0x44: {  	_ =	shalt  }
0x45: {  	_ =	shalt  }
0x46: {  	_ =	shalt  }
0x47: {  	_ =	shalt  }
0x48: {  	_ =	shalt  }
0x49: {  	_ =	shalt  }
0x4a: {  	_ =	shalt  }
0x4b: {  	_ =	shalt  }
0x4c: {  	_ =	shalt  }
0x4d: {  	_ =	shalt  }
0x4e: {  	_ =	shalt  }
0x4f: {  	_ =	shalt  }
0x50: {  	_ =	shalt  }
0x51: {  	_ =	shalt  }
0x52: {  	_ =	shalt  }
0x53: {  	_ =	shalt  }
0x54: {  	_ =	shalt  }
0x55: {  	_ =	shalt  }
0x56: {  	_ =	shalt  }
0x57: {  	_ =	shalt  }
0x58: {  	_ =	shalt  }
0x59: {  	_ =	shalt  }
0x5a: {  	_ =	shalt  }
0x5b: {  	_ =	shalt  }
0x5c: {  	_ =	shalt  }
0x5d: {  	_ =	shalt  }
0x5e: {  	_ =	shalt  }
0x5f: {  	_ =	shalt  }
0x60: {  	_ =	shalt  }
0x61: {  	_ =	shalt  }
0x62: {  	_ =	shalt  }
0x63: {  	_ =	shalt  }
0x64: {  	_ =	shalt  }
0x65: {  	_ =	shalt  }
0x66: {  	_ =	shalt  }
0x67: {  	_ =	shalt  }
0x68: {  	_ =	shalt  }
0x69: {  	_ =	shalt  }
0x6a: {  	_ =	shalt  }
0x6b: {  	_ =	shalt  }
0x6c: {  	_ =	shalt  }
0x6d: {  	_ =	shalt  }
0x6e: {  	_ =	shalt  }
0x6f: {  	_ =	shalt  }
0x70: {  	_ =	shalt  }
0x71: {  	_ =	shalt  }
0x72: {  	_ =	shalt  }
0x73: {  	_ =	shalt  }
0x74: {  	_ =	shalt  }
0x75: {  	_ =	shalt  }
0x76: {  	_ =	shalt  }
0x77: {  	_ =	shalt  }
0x78: {  	_ =	shalt  }
0x79: {  	_ =	shalt  }
0x7a: {  	_ =	shalt  }
0x7b: {  	_ =	shalt  }
0x7c: {  	_ =	shalt  }
0x7d: {  	_ =	shalt  }
0x7e: {  	_ =	shalt  }
0x7f: {  	_ =	shalt  }
0x80: {  	_ =	shalt  }
0x81: {  	_ =	shalt  }
0x82: {  	_ =	shalt  }
0x83: {  	_ =	shalt  }
0x84: {  	_ =	shalt  }
0x85: {  	_ =	shalt  }
0x86: {  	_ =	shalt  }
0x87: {  	_ =	shalt  }
.Lfunc_end0:
.L_simem_size_0:
called_computation_lowered:
.L_overlay_start_0:
0x88: {  	s2 =	sld [smem:$0x3FD9]  }
0x89: {  	s3 =	sld [smem:$0x3FFE];
	_ =	sdelay $0x1  }
0x8a: {  	s1 =	srdreg.scid  }
0x8b: {  	s0 =	sand.u32 $0x1, s1  }
0x8c: {  	s17 =	sshll.u32 s0, $0xA;
	s2 =	sadd.s32 s3, s2  }
0x8d: {  	s2 =	sadd.s32 s2, s17  }
0x8e: {  	[smem:$0x3FC3] =	sst s2  }
0x8f: {  	_ = 	snop  }
0x90: {  	s2 =	sld [smem:$0x3FD0];
	(tm) =	ssettm $0x1  }
0x91: {  	s18 =	sld [smem:$0x3FFB];
	_ =	sdelay $0x3  }
0x92: {  	_ =	strace s18  }
0x93: {  	s3 =	sld [smem:$0x3FFC];
	_ =	sdelay $0x3  }
0x94: {  	_ =	strace s3  }
0x95: {  	s3 =	sld [smem:$0x3FFD];
	_ =	sdelay $0x3  }
0x96: {  	_ =	strace s3  }
0x97: {  	_ =	strace $0x8FFFFFFF  }
0x98: {  	s19 =	sld [smem:$0x3FDB];
	_ =	sdelay $0x1  }
0x99: {  	s4 =	simm.s32 $_scs_section_size  }
0x9a: {  	s5 =	simm.s32 $_size__tile_overlayer_lowered;
	s6 =	simm.s32 $_tile_overlayer_lowered  }
0x9b: {  	s22 =	simm.s32 $0x1BFF;
	s21 =	sshll.u32 s6, $0x1;
	s3 =	sadd.s32 s4, s19  }
0x9c: {  	s7 =	simm.s32 $0x0;
	s20 =	sshll.u32 s5, $0x1;
	s5 =	sadd.s32 s21, s3  }
0x9d: {  	[timem:s7], [sflag:s22] =	dma.local [hbm:s5], s20  }
0x9e: {  	_ =	swait.ge [sflag:s22], s20  }
0x9f: {  	s4 =	ssub.s32 $0x0, s20;
	[sflag:s22] =	ssyncset.done $0x0  }
0xa0: {  	[sflag:s22] =	ssyncadd.s32 s4;
	_ =	sdelay $0x1  }
0xa1: {  	s23 =	simm.s32 $0x1B8B  }
0xa2: {  	_ =	swait.ge [sflag:s23], $0x1  }
0xa3: {  	[sflag:s23] =	ssyncset.done $0x0  }
0xa4: {  	s25 =	simm.s32 $0x1B8E;
	s24 =	sld [smem:$0x3FFE];
	[sflag:s23] =	ssyncadd.s32 $0xFFFFFFFF  }
0xa5: {  	s26 =	simm.s32 $execute0_lowered;
	[smem:$0x3FD2] =	sst s25  }
0xa6: {  	s5 =	sshll.u32 s26, $0x1;
	_ =	strace $0x80000046;
	[dreg:$0x1] =	wrdreg $0xFFFFFFFF  }
0xa7: {  	s28 =	simm.s32 $_size_execute0_lowered;
	s3 =	sadd.s32 s3, s5;
	[dreg:$0x0] =	wrdreg $0x0  }
0xa8: {  	s5 =	sshll.u32 s28, $0x1;
	[dreg:$0x2] =	wrdreg s3  }
0xa9: {  	[dreg:$0x3] =	wrdreg s5  }
0xaa: {  	[dreg:$0x4] =	wrdreg $0xC0  }
0xab: {  	_ =	task [dreg:s7], $0x5FFFF  }
0xac: {  	[dreg:$0x1] =	wrdreg $0xFFFFFFFF  }
0xad: {  	[dreg:$0x0] =	wrdreg $0x60  }
0xae: {  	[dreg:$0x2] =	wrdreg s24  }
0xaf: {  	[dreg:$0x3] =	wrdreg s2  }
0xb0: {  	[dreg:$0x4] =	wrdreg $0x4F800  }
0xb1: {  	[dreg:$0x5] =	wrdreg $0x9  }
0xb2: {  	_ =	task.clear_ibuf [dreg:s7], $0x6FFFF;
	_ =	strace $0x90000046  }
0xb3: {  	s29 =	simm.s32 $0x9;
	_ =	strace $0x80000048  }
0xb4: {  	_ =	swait.ge [sflag:s29], $0x1  }
0xb5: {  	[sflag:s29] =	ssyncadd.s32 $0xFFFFFFFF  }
0xb6: {  	_ =	strace $0x90000048  }
0xb7: {  	_ =	sfence  }
0xb8: {  	s30 =	sld [smem:$0x0];
	_ =	sdelay $0x2  }
0xb9: {  	s31 =	sshll.u32 s1, $0xD;
	s1 =	sshrl.u32 s1, $0x2  }
0xba: {  	s3 =	sand.u32 $0x4000, s31;
	s1 =	sadd.s32 s1, s30  }
0xbb: {  	s0 =	sor.u32 s3, s0;
	s1 =	sshll.u32 s1, $0x11  }
0xbc: {  	s0 =	sor.u32 s1, s0  }
0xbd: {  	s0 =	sadd.s32 $0x8F2B, s0  }
0xbe: {  	[sflag:s0] =	ssyncadd.remote.s32 $0x1  }
0xbf: {  	_ =	sfence.sel $0xFFFF  }
0xc0: {  	[dreg:$0x0] =	wrdreg $0xFFFFFFFF;
	(pc) =	sbr.abs _section_cstart, $3  }
0xc1: {  	[dreg:$0x1] =	wrdreg $0xFFFFFFFF  }
0xc2: {  	_ =	task.clear_ibuf [dreg:s7], $0x2FFFF;
	_ =	strace $0x9FFFFFFF  }
0xc3: {  	(tm) =	ssettm $0x7FFFFFFF  }
tec
execute0_lowered:
.L_overlay_start_1:
0x0: {  	(tag) =	ssettag $0x1  }
0x1: {  	s4 =	rddreg [dreg:$0x0]  }
0x2: {  	s1 =	rddreg [dreg:$0x1]  }
0x3: {  	s2 =	rddreg [dreg:$0x2]  }
0x4: {  	s0 =	rddreg [dreg:$0x3];
	s3 =	simm.s32 $0x0;
	s5 =	srdreg.scid  }
0x5: {  	s12 =	stileid.u32;
	[smem:$0x7FF] =	sst s3;
	s5 =	sand.u32 $0x1, s5  }
0x6: {  	s8 =	sadd.s32 $0x15C00, s4;
	s10 =	smul.u32 $0x50, s12;
	s11 =	sadd.s32 $0x1C00, s4  }
0x7: {  	s4 =	sadd.s32 $0x1FC00, s4;
	p0 =	seq.s32 s12, $0x0;
	_ =	strace $0x80000047  }
0x8: {  	s6 =	ssub.s32 $0x2, s5;
	s7 =	smul.u32 $0x500, s5;
	p1 =	seq.s32 s5, $0x1  }
0x9: {  	s30 =	sor.u32 s12, s5;
	s9 =	sshrl.u32 s6, $0x1;
	p0 =	por !p0, !p1  }
0xa: {  	p1 =	sne.s32 s12, $0x0;
	p2 =	sne.s32 s30, $0x0;
	s6 =	ssub.s32 s6, s9  }
0xb: {  	s7 =	sadd.s32 s10, s7;
	p0 =	por !p0, !p0;
	s10 =	simm.s32 $0x1  }
0xc: {  	s13 =	sshll.u32 @!p2 s12, $0x6;
	s12 =	simm.s32 $0x80;
	s14 =	sshrl.u32 @!p2 s2, $0x3  }
0xd: {  	s7 =	sshll.u32 s7, $0x4;
	s5 =	smax.u32 s6, $0x1;
	s13 =	sor.u32 @!p2 $0x1C01, s13  }
0xe: {  	s31 =	sadd.s32 $0x280, s7;
	s6 =	sadd.s32 s8, s7;
	s7 =	sadd.s32 s11, s7  }
0xf: {  	v0 =	vimm.f32 $0.0e+00;
	s8 =	sadd.s32 s8, s31;
	s9 =	sadd.s32 s11, s31;
	s11 =	simm.s32 $0x1400  }
.LBB2_1:
0x10: {  	s15 =	simm.s32 $0x40;
	s16 =	simm.s32 $0x0  }
.LBB2_2:
0x11: {  	p3 =	sne.s32 s15, $0x9C00;
	[tilespmem:s16+$0x2800] =	vst v0;
	s16 =	smov.u32 s15;
	s15 =	sadd.s32 $0x40, s15  }
.Ltmp0:
0x12: {  	(pc) =	sbr.rel @p3 .LBB2_2-.Ltmp0, $2  }
0x13: {  	_ =	sdelay $0x2  }
0x14: {  	s16 =	sshra.s32 s16, $0x2  }
0x15: {  	[tilespmem:s16+$0x2800] =	vst v0;
	s15 =	simm.s32 @!p1 $0x2800  }
0x16: {  	[spmem:s2] =	stream.linear.scatter @!p1 [tilespmem:s15], [sflag:$0x1], $0x2780, $0x38;
	[tilespmem:$0x51F8] =	vst v63  }
0x17: {  	s15 =	simm.s32 @!p1 $0x1  }
0x18: {  	_ =	swait.ge @!p1 [sflag:s15], $0x2780  }
0x19: {  	[sflag:s15] =	ssyncset.done @!p1 $0x0  }
0x1a: {  	[sflag:s15] =	ssyncadd.s32 @!p1 $0xFFFFD880  }
0x1b: {  	s29 =	simm.s32 $0x0;
	[bflag:$0x0] =	sbarrier.arrive $0xFFFF  }
0x1c: {  	[tilespmem:s29], [sflag:$0x1] =	stream.linear.gather [hbm4b:s6+s29], $0x1400, $0x38;
	[tilespmem:$0x51F8] =	vst v63  }
0x1d: {  	_ =	swait.ge [sflag:s10], $0x1400  }
0x1e: {  	[sflag:s10] =	ssyncset.done $0x0  }
0x1f: {  	[sflag:s10] =	ssyncadd.s32 $0xFFFFEC00  }
0x20: {  	[tilespmem:s11], [sflag:$0x1] =	stream.linear.gather [hbm4b:s7+s29], $0x1400, $0x38;
	[tilespmem:$0x51F8] =	vst v63  }
0x21: {  	_ =	swait.ge [sflag:s10], $0x1400  }
0x22: {  	[sflag:s10] =	ssyncset.done $0x0  }
0x23: {  	s30 =	simm.s32 $0x0;
	s31 =	simm.s32 $0x1400;
	[sflag:s10] =	ssyncadd.s32 $0xFFFFEC00  }
0x24: {  	[spmem:s2] =	stream.indirect.scatter.add.f32 [tilespmem:s31], [sflag:$0x1], $0x1, s30, s12, $0xb8;
	[tilespmem:$0x51F8] =	vst v63  }
0x25: {  	s15 =	simm.s32 $0x200;
	_ =	swait.ge [sflag:s10], $0x80  }
.LBB2_4:
0x26: {  	s16 =	sshra.s32 s15, $0x2;
	[sflag:s10] =	ssyncset.done $0x0;
	p3 =	sne.s32 s15, $0x4E00  }
.Ltmp1:
0x27: {  	s17 =	sadd.s32 $0x1400, s16;
	[sflag:s10] =	ssyncadd.s32 $0xFFFFFF80;
	(pc) =	sbr.rel @p3 .LBB2_4-.Ltmp1, $3  }
0x28: {  	[spmem:s2] =	stream.indirect.scatter.add.f32 [tilespmem:s17], [sflag:$0x1], $0x1, s16, s12, $0xb8;
	[tilespmem:$0x51F8] =	vst v63  }
0x29: {  	s15 =	sadd.s32 $0x200, s15;
	_ =	sdelay $0x1  }
0x2a: {  	_ =	swait.ge [sflag:s10], $0x80  }
0x2b: {  	[sflag:s10] =	ssyncset.done $0x0  }
0x2c: {  	s15 =	simm.s32 $0x0;
	[sflag:s10] =	ssyncadd.s32 $0xFFFFFF80  }
0x2d: {  	[tilespmem:s15], [sflag:$0x1] =	stream.linear.gather [hbm4b:s8+s15], $0x1400, $0x38;
	[tilespmem:$0x51F8] =	vst v63  }
0x2e: {  	_ =	swait.ge [sflag:s10], $0x1400  }
0x2f: {  	[sflag:s10] =	ssyncset.done $0x0  }
0x30: {  	[sflag:s10] =	ssyncadd.s32 $0xFFFFEC00  }
0x31: {  	[tilespmem:s11], [sflag:$0x1] =	stream.linear.gather [hbm4b:s9+s15], $0x1400, $0x38;
	[tilespmem:$0x51F8] =	vst v63  }
0x32: {  	_ =	swait.ge [sflag:s10], $0x1400  }
0x33: {  	[sflag:s10] =	ssyncset.done $0x0  }
0x34: {  	s31 =	simm.s32 $0x0;
	s16 =	simm.s32 $0x1400;
	[sflag:s10] =	ssyncadd.s32 $0xFFFFEC00  }
0x35: {  	[spmem:s2] =	stream.indirect.scatter.add.f32 [tilespmem:s16], [sflag:$0x1], $0x1, s31, s12, $0xb8;
	[tilespmem:$0x51F8] =	vst v63  }
0x36: {  	s15 =	simm.s32 $0x200;
	_ =	swait.ge [sflag:s10], $0x80  }
.LBB2_6:
0x37: {  	s16 =	sshra.s32 s15, $0x2;
	[sflag:s10] =	ssyncset.done $0x0;
	p3 =	sne.s32 s15, $0x4E00  }
.Ltmp2:
0x38: {  	s17 =	sadd.s32 $0x1400, s16;
	[sflag:s10] =	ssyncadd.s32 $0xFFFFFF80;
	(pc) =	sbr.rel @p3 .LBB2_6-.Ltmp2, $3  }
0x39: {  	[spmem:s2] =	stream.indirect.scatter.add.f32 [tilespmem:s17], [sflag:$0x1], $0x1, s16, s12, $0xb8;
	[tilespmem:$0x51F8] =	vst v63  }
0x3a: {  	s15 =	sadd.s32 $0x200, s15;
	_ =	sdelay $0x1  }
0x3b: {  	_ =	swait.ge [sflag:s10], $0x80  }
0x3c: {  	[sflag:s10] =	ssyncset.done $0x0  }
0x3d: {  	[sflag:s10] =	ssyncadd.s32 $0xFFFFFF80  }
0x3e: {  	s15 =	simm.s32 @!p2 $0x1;
	[bflag:$0x0] =	sbarrier.arrive $0xFFFF  }
0x3f: {  	[hbm:s1], [sflag:s13] =	dma.local @!p2 [spmem:s14], $0x4F0  }
0x40: {  	_ =	swait.ge @!p2 [sflag:s15], $0x4F0  }
0x41: {  	s16 =	simm.s32 @p0 $0x1C01;
	s3 =	sadd.s32 $0x1, s3;
	[sflag:s15] =	ssyncset.done @!p2 $0x0  }
0x42: {  	p3 =	sne.s32 s3, s5;
	[sflag:s15] =	ssyncadd.s32 @!p2 $0xFFFFFB10;
	s15 =	sshrl.u32 @p0 s2, $0x3  }
0x43: {  	[hbm:s4], [sflag:s16] =	dma.local @p0 [spmem:s15], $0x4F0  }
.Ltmp3:
0x44: {  	_ = 	snop;
	(pc) =	sbr.rel @p3 .LBB2_1-.Ltmp3, $4  }
0x45: {  	s15 =	simm.s32 @p0 $0x1  }
0x46: {  	_ =	swait.ge @p0 [sflag:s15], $0x4F0  }
0x47: {  	[sflag:s15] =	ssyncset.done @p0 $0x0  }
0x48: {  	[sflag:s15] =	ssyncadd.s32 @p0 $0xFFFFFB10  }
0x49: {  	_ =	sfence.sel $0x180000  }
0x4a: {  	[bflag:$0x0] =	sbarrier.arrive $0xFFFF  }
0x4b: {  	_ =	strace $0x90000047  }
0x4c: {  	s0 =	sadd.s32 @!p1 $0x100000, s0;
	[bflag:$0x2] =	sbarrier.arrive $0xFFFF  }
0x4d: {  	[sflag:s0] =	ssyncadd.tile.s32 @!p1 $0x1;
	_ =	shalt  }
.Lfunc_end2:
_tile_overlayer_lowered:
.L_overlay_start_2:
0x4e: {  	(tag) =	ssettag $0x2  }
0x4f: {  	s0 =	rddreg [dreg:$0x0];
	s2 =	stileid.u32  }
0x50: {  	s1 =	rddreg [dreg:$0x1];
	p0 =	sne.s32 s2, $0x0  }
0x51: {  	s3 =	rddreg [dreg:$0x2];
	[bflag:$0x3] =	sbarrier.arrive $0xFFFF;
	s2 =	simm.s32 @!p0 $0x1C01  }
0x52: {  	[timem:s3], [sflag:s2] =	dma.local @!p0 [hbm:s0], s1  }
0x53: {  	s0 =	simm.s32 @!p0 $0x1  }
0x54: {  	_ =	swait.ge @!p0 [sflag:s0], s1  }
0x55: {  	s1 =	ssub.s32 @!p0 $0x0, s1;
	[sflag:s0] =	ssyncset.done @!p0 $0x0  }
0x56: {  	[sflag:s0] =	ssyncadd.s32 @!p0 s1  }
0x57: {  	[bflag:$0x3] =	sbarrier.arrive $0xFFFF  }
0x58: {  	_ =	shalt  }

</sc_bundles>
